<compile_context>
chip_gen: v7x
topology: tpu7x:2x2x1
jax: 0.10.2.dev20260603
libtpu: 0.0.44.dev20260713+nightly
codegen_flags: <defaults>
</compile_context>

<pallas_src>
import jax
import jax.numpy as jnp
import numpy as np
from jax.experimental import pallas as pl

N_FIELDS = 26
VOCAB = 100000
EMB = 16
DENSE = 13
B = 16384
H1 = 400
H2 = 400
BN_EPS = 1e-5
FE = N_FIELDS * EMB

_PERM = (np.arange(FE) % N_FIELDS) * EMB + np.arange(FE) // N_FIELDS


def _tc_body(embt_ref, denset_ref, w1t_ref, w1dt_ref, b1_ref, w2t_ref, b2_ref,
             sel_ref, ones_ref, wht_ref, c_ref, out_ref):
    et = embt_ref[...]
    CB = et.shape[1] // N_FIELDS
    ew = et.reshape(FE, CB)
    x1 = jnp.dot(w1t_ref[...], ew, preferred_element_type=jnp.float32)
    x1 += jnp.dot(w1dt_ref[...], denset_ref[...], preferred_element_type=jnp.float32)
    h1 = jnp.maximum(x1 + b1_ref[...], 0.0)
    x2 = jnp.dot(w2t_ref[...], h1, preferred_element_type=jnp.float32)
    h2 = jnp.maximum(x2 + b2_ref[...], 0.0)
    p = jnp.dot(sel_ref[...], ew, preferred_element_type=jnp.float32)
    ssum = p[:EMB, :]
    fm1 = p[EMB:, :]
    sumsq = jnp.dot(ones_ref[...], ew * ew, preferred_element_type=jnp.float32)
    fm2 = 0.5 * (jnp.sum(ssum * ssum, axis=0, keepdims=True) - sumsq)
    logit = (fm1
             + jnp.dot(wht_ref[...], h2, preferred_element_type=jnp.float32)
             + fm2 * c_ref[0, 0] + c_ref[0, 1])
    out_ref[...] = jax.nn.sigmoid(logit)


def _tc_mlp_t(embt, denset, w1t, w1dt, b1c, w2t, b2c, sel, ones, wht, consts):
    CB = denset.shape[1]
    full = lambda shape: pl.BlockSpec(shape, lambda: tuple(0 for _ in shape))
    return pl.pallas_call(
        _tc_body,
        grid=(),
        in_specs=[
            full((EMB, N_FIELDS * CB)),
            full((DENSE, CB)),
            full((H1, FE)),
            full((H1, DENSE)),
            full((H1, 1)),
            full((H2, H1)),
            full((H2, 1)),
            full((EMB + 1, FE)),
            full((1, FE)),
            full((1, H2)),
            full((1, 2)),
        ],
        out_specs=full((1, CB)),
        out_shape=jax.ShapeDtypeStruct((1, CB), jnp.float32),
    )(embt, denset, w1t, w1dt, b1c, w2t, b2c, sel, ones, wht, consts)


def kernel(sparse, dense, tables, W1, b1, g1, be1, W2, b2, g2, be2, Wout, bout):
    def _gather_t(idx_rows):
        n = idx_rows.shape[0]
        stack = jax.vmap(lambda t, idx: t.at[idx].get(mode='promise_in_bounds'),
                         in_axes=(0, 1), out_axes=0)(tables, idx_rows)
        return stack.reshape(N_FIELDS * n, EMB).T

    inv = 1.0 / jnp.sqrt(1.0 + BN_EPS)
    s1 = inv * g1
    b1c = ((b1 * s1 + be1))[:, None]
    s2 = inv * g2
    w2t = (W2 * s2[None, :]).T
    b2c = ((b2 * s2 + be2))[:, None]
    perm = jnp.asarray(_PERM)
    w1t = (W1[:FE, :] * s1[None, :])[perm, :].T
    w1dt = (W1[FE:, :] * s1[None, :]).T
    sel_np = np.zeros((EMB + 1, FE), dtype=np.float32)
    for e2 in range(EMB):
        sel_np[e2, e2 * N_FIELDS:(e2 + 1) * N_FIELDS] = 1.0
    sel = jnp.asarray(sel_np).at[EMB, :].set(
        jnp.tile(Wout[:N_FIELDS, 0], EMB))
    ones = jnp.ones((1, FE), dtype=jnp.float32)
    wht = Wout[N_FIELDS + 1:, :].T
    consts = jnp.stack([Wout[N_FIELDS, 0], bout[0]])[None, :]

    denset = dense.T

    SPLIT = 4
    CB = B // SPLIT
    outs = []
    for s in range(SPLIT):
        embt_s = _gather_t(jax.lax.slice_in_dim(sparse, s * CB, (s + 1) * CB, axis=0))
        denset_s = jax.lax.slice_in_dim(denset, s * CB, (s + 1) * CB, axis=1)
        outs.append(_tc_mlp_t(embt_s, denset_s, w1t, w1dt, b1c, w2t, b2c,
                              sel, ones, wht, consts))
    return jnp.concatenate(outs, axis=1).reshape(B)

# --- scband reference (transcript-rebuilt; emitter-appended) ---
"""Pipeline reference for scband-deep-fm-47038481825877 (READ-ONLY COPY).

The authoritative reference and input builder live on the scoring server;
editing this copy changes nothing except your own understanding.
"""

import jax, jax.numpy as jnp
import numpy as np

N_FIELDS = 26
VOCAB = 100000
EMB = 16
DENSE = 13
B = 16384
D_DEEP_IN = N_FIELDS * EMB + DENSE  # 429
H1 = 400
H2 = 400
D_OUT_IN = N_FIELDS + 1 + H2  # 427
BN_EPS = 1e-5


def setup_inputs(seed: int = 0) -> dict:
    key = jax.random.key(seed)
    ks = jax.random.split(key, 12)
    sparse = jax.random.randint(ks[0], (B, N_FIELDS), 0, VOCAB, dtype=jnp.int32)
    dense = jax.random.normal(ks[1], (B, DENSE), dtype=jnp.float32)
    tables = jax.random.normal(ks[2], (N_FIELDS, VOCAB + 1, EMB), dtype=jnp.float32) * 0.01
    tables = tables.at[:, 0, :].set(0.0)  # padding_idx=0
    W1 = jax.random.normal(ks[3], (D_DEEP_IN, H1), dtype=jnp.float32) * 0.05
    b1 = jnp.zeros((H1,), dtype=jnp.float32)
    g1 = jnp.ones((H1,), dtype=jnp.float32)
    be1 = jnp.zeros((H1,), dtype=jnp.float32)
    W2 = jax.random.normal(ks[4], (H1, H2), dtype=jnp.float32) * 0.05
    b2 = jnp.zeros((H2,), dtype=jnp.float32)
    g2 = jnp.ones((H2,), dtype=jnp.float32)
    be2 = jnp.zeros((H2,), dtype=jnp.float32)
    Wout = jax.random.normal(ks[5], (D_OUT_IN, 1), dtype=jnp.float32) * 0.05
    bout = jnp.zeros((1,), dtype=jnp.float32)
    return {"sparse": sparse, "dense": dense, "tables": tables,
            "W1": W1, "b1": b1, "g1": g1, "be1": be1,
            "W2": W2, "b2": b2, "g2": g2, "be2": be2,
            "Wout": Wout, "bout": bout}


def _bn_eval(x, g, b):
    # BatchNorm1d in eval mode: running_mean=0, running_var=1
    return x / jnp.sqrt(1.0 + BN_EPS) * g + b


def reference(sparse, dense, tables, W1, b1, g1, be1, W2, b2, g2, be2, Wout, bout):
    # per-field embedding lookup -> emb_stack [B, n_sparse, emb_dim]
    emb_stack = jax.vmap(lambda t, idx: jnp.take(t, idx, axis=0), in_axes=(0, 1), out_axes=1)(tables, sparse)
    fm_first = jnp.sum(emb_stack, axis=2)                       # [B, n_sparse]
    sum_sq = jnp.sum(emb_stack, axis=1) ** 2                    # [B, emb]
    sq_sum = jnp.sum(emb_stack ** 2, axis=1)                    # [B, emb]
    fm_second = 0.5 * jnp.sum(sum_sq - sq_sum, axis=1, keepdims=True)  # [B, 1]
    emb_flat = emb_stack.reshape(emb_stack.shape[0], -1)        # [B, n_sparse*emb]
    deep_in = jnp.concatenate([emb_flat, dense], axis=1)        # [B, 429]
    h = jnp.maximum(_bn_eval(deep_in @ W1 + b1, g1, be1), 0.0)  # dropout = identity (eval)
    h = jnp.maximum(_bn_eval(h @ W2 + b2, g2, be2), 0.0)
    out = jnp.concatenate([fm_first, fm_second, h], axis=1) @ Wout + bout
    return jax.nn.sigmoid(out)[:, 0]

if __name__ == "__main__":
    import jax
    _d = setup_inputs()
    print(jax.jit(kernel)(*tuple(_d.values())))

</pallas_src>

<mosaic_0001>
module attributes {stable_mosaic.version = 14 : i64} {
  func.func @_tc_body(%arg0: memref<16x106496xf32, #tpu.memory_space<vmem>>, %arg1: memref<13x4096xf32, #tpu.memory_space<vmem>>, %arg2: memref<400x416xf32, #tpu.memory_space<vmem>>, %arg3: memref<400x13xf32, #tpu.memory_space<vmem>>, %arg4: memref<400x1xf32, #tpu.memory_space<vmem>>, %arg5: memref<400x400xf32, #tpu.memory_space<vmem>>, %arg6: memref<400x1xf32, #tpu.memory_space<vmem>>, %arg7: memref<17x416xf32, #tpu.memory_space<vmem>>, %arg8: memref<1x416xf32, #tpu.memory_space<vmem>>, %arg9: memref<1x400xf32, #tpu.memory_space<vmem>>, %arg10: memref<1x2xf32, #tpu.memory_space<vmem>>, %arg11: memref<1x4096xf32, #tpu.memory_space<vmem>>) attributes {dimension_semantics = [], scalar_prefetch = 0 : i64, scratch_operands = 0 : i64, tpu.core_type = #tpu.core_type<tc>} {
    %get3A = arith.constant 0 : index
    %get3A_0 = arith.constant 0 : index
    %get3A_1 = vector.load %arg0[%get3A, %get3A_0] : memref<16x106496xf32, #tpu.memory_space<vmem>>, vector<16x106496xf32>
    %reshape3A = vector.shape_cast %get3A_1 : vector<16x106496xf32> to vector<416x4096xf32>
    %get3A_2 = arith.constant 0 : index
    %get3A_3 = arith.constant 0 : index
    %get3A_4 = vector.load %arg2[%get3A_2, %get3A_3] : memref<400x416xf32, #tpu.memory_space<vmem>>, vector<400x416xf32>
    %dot_general3A = arith.constant dense<0.000000e+00> : vector<400x4096xf32>
    %dot_general3A_5 = tpu.matmul %get3A_4, %reshape3A, %dot_general3A {dimension_numbers = #tpu.dot_dimension_numbers<[1], [0], [0], [1], [0, 0, 1, 1], [], []>, transpose_lhs_hint = false} : vector<400x416xf32>, vector<416x4096xf32>, vector<400x4096xf32> -> vector<400x4096xf32>
    %get3A_6 = arith.constant 0 : index
    %get3A_7 = arith.constant 0 : index
    %get3A_8 = vector.load %arg3[%get3A_6, %get3A_7] : memref<400x13xf32, #tpu.memory_space<vmem>>, vector<400x13xf32>
    %get3A_9 = arith.constant 0 : index
    %get3A_10 = arith.constant 0 : index
    %get3A_11 = vector.load %arg1[%get3A_9, %get3A_10] : memref<13x4096xf32, #tpu.memory_space<vmem>>, vector<13x4096xf32>
    %dot_general3A_12 = arith.constant dense<0.000000e+00> : vector<400x4096xf32>
    %dot_general3A_13 = tpu.matmul %get3A_8, %get3A_11, %dot_general3A_12 {dimension_numbers = #tpu.dot_dimension_numbers<[1], [0], [0], [1], [0, 0, 1, 1], [], []>, transpose_lhs_hint = false} : vector<400x13xf32>, vector<13x4096xf32>, vector<400x4096xf32> -> vector<400x4096xf32>
    %add3A = arith.addf %dot_general3A_5, %dot_general3A_13 : vector<400x4096xf32>
    %get3A_14 = arith.constant 0 : index
    %get3A_15 = arith.constant 0 : index
    %get3A_16 = vector.load %arg4[%get3A_14, %get3A_15] : memref<400x1xf32, #tpu.memory_space<vmem>>, vector<400x1xf32>
    %add3A_17 = vector.broadcast %get3A_16 : vector<400x1xf32> to vector<400x4096xf32>
    %add3A_18 = arith.addf %add3A, %add3A_17 : vector<400x4096xf32>
    %max3A = arith.constant 0.000000e+00 : f32
    %max3A_19 = vector.broadcast %max3A : f32 to vector<400x4096xf32>
    %max3A_20 = arith.maximumf %add3A_18, %max3A_19 : vector<400x4096xf32>
    %get3A_21 = arith.constant 0 : index
    %get3A_22 = arith.constant 0 : index
    %get3A_23 = vector.load %arg5[%get3A_21, %get3A_22] : memref<400x400xf32, #tpu.memory_space<vmem>>, vector<400x400xf32>
    %dot_general3A_24 = arith.constant dense<0.000000e+00> : vector<400x4096xf32>
    %dot_general3A_25 = tpu.matmul %get3A_23, %max3A_20, %dot_general3A_24 {dimension_numbers = #tpu.dot_dimension_numbers<[1], [0], [0], [1], [0, 0, 1, 1], [], []>, transpose_lhs_hint = false} : vector<400x400xf32>, vector<400x4096xf32>, vector<400x4096xf32> -> vector<400x4096xf32>
    %get3A_26 = arith.constant 0 : index
    %get3A_27 = arith.constant 0 : index
    %get3A_28 = vector.load %arg6[%get3A_26, %get3A_27] : memref<400x1xf32, #tpu.memory_space<vmem>>, vector<400x1xf32>
    %add3A_29 = vector.broadcast %get3A_28 : vector<400x1xf32> to vector<400x4096xf32>
    %add3A_30 = arith.addf %dot_general3A_25, %add3A_29 : vector<400x4096xf32>
    %max3A_31 = arith.constant 0.000000e+00 : f32
    %max3A_32 = vector.broadcast %max3A_31 : f32 to vector<400x4096xf32>
    %max3A_33 = arith.maximumf %add3A_30, %max3A_32 : vector<400x4096xf32>
    %get3A_34 = arith.constant 0 : index
    %get3A_35 = arith.constant 0 : index
    %get3A_36 = vector.load %arg7[%get3A_34, %get3A_35] : memref<17x416xf32, #tpu.memory_space<vmem>>, vector<17x416xf32>
    %dot_general3A_37 = arith.constant dense<0.000000e+00> : vector<17x4096xf32>
    %dot_general3A_38 = tpu.matmul %get3A_36, %reshape3A, %dot_general3A_37 {dimension_numbers = #tpu.dot_dimension_numbers<[1], [0], [0], [1], [0, 0, 1, 1], [], []>, transpose_lhs_hint = false} : vector<17x416xf32>, vector<416x4096xf32>, vector<17x4096xf32> -> vector<17x4096xf32>
    %slice3A = vector.extract_strided_slice %dot_general3A_38 {offsets = [0, 0], sizes = [16, 4096], strides = [1, 1]} : vector<17x4096xf32> to vector<16x4096xf32>
    %slice3A_39 = vector.extract_strided_slice %dot_general3A_38 {offsets = [16, 0], sizes = [1, 4096], strides = [1, 1]} : vector<17x4096xf32> to vector<1x4096xf32>
    %get3A_40 = arith.constant 0 : index
    %get3A_41 = arith.constant 0 : index
    %get3A_42 = vector.load %arg8[%get3A_40, %get3A_41] : memref<1x416xf32, #tpu.memory_space<vmem>>, vector<1x416xf32>
    %mul3A = arith.mulf %reshape3A, %reshape3A : vector<416x4096xf32>
    %dot_general3A_43 = arith.constant dense<0.000000e+00> : vector<1x4096xf32>
    %dot_general3A_44 = tpu.matmul %get3A_42, %mul3A, %dot_general3A_43 {dimension_numbers = #tpu.dot_dimension_numbers<[1], [0], [0], [1], [0, 0, 1, 1], [], []>, transpose_lhs_hint = false} : vector<1x416xf32>, vector<416x4096xf32>, vector<1x4096xf32> -> vector<1x4096xf32>
    %mul3A_45 = arith.mulf %slice3A, %slice3A : vector<16x4096xf32>
    %reduce_sum3A = arith.constant dense<0.000000e+00> : vector<4096xf32>
    %reduce_sum3A_46 = vector.multi_reduction <add>, %mul3A_45, %reduce_sum3A [0] : vector<16x4096xf32> to vector<4096xf32>
    %broadcast_in_dim3A = vector.shape_cast %reduce_sum3A_46 : vector<4096xf32> to vector<1x4096xf32>
    %sub3A = arith.subf %broadcast_in_dim3A, %dot_general3A_44 : vector<1x4096xf32>
    %mul3A_47 = arith.constant 5.000000e-01 : f32
    %mul3A_48 = vector.broadcast %mul3A_47 : f32 to vector<1x4096xf32>
    %mul3A_49 = arith.mulf %mul3A_48, %sub3A : vector<1x4096xf32>
    %get3A_50 = arith.constant 0 : index
    %get3A_51 = arith.constant 0 : index
    %get3A_52 = vector.load %arg9[%get3A_50, %get3A_51] : memref<1x400xf32, #tpu.memory_space<vmem>>, vector<1x400xf32>
    %dot_general3A_53 = arith.constant dense<0.000000e+00> : vector<1x4096xf32>
    %dot_general3A_54 = tpu.matmul %get3A_52, %max3A_33, %dot_general3A_53 {dimension_numbers = #tpu.dot_dimension_numbers<[1], [0], [0], [1], [0, 0, 1, 1], [], []>, transpose_lhs_hint = false} : vector<1x400xf32>, vector<400x4096xf32>, vector<1x4096xf32> -> vector<1x4096xf32>
    %add3A_55 = arith.addf %slice3A_39, %dot_general3A_54 : vector<1x4096xf32>
    %get3A_56 = arith.constant 0 : index
    %get3A_57 = arith.constant 0 : index
    %get3A_58 = vector.load %arg10[%get3A_56, %get3A_57] : memref<1x2xf32, #tpu.memory_space<vmem>>, vector<1x1xf32>
    %get3A_59 = vector.extract %get3A_58[0, 0] : f32 from vector<1x1xf32>
    %mul3A_60 = vector.broadcast %get3A_59 : f32 to vector<1x4096xf32>
    %mul3A_61 = arith.mulf %mul3A_49, %mul3A_60 : vector<1x4096xf32>
    %add3A_62 = arith.addf %add3A_55, %mul3A_61 : vector<1x4096xf32>
    %get3A_63 = arith.constant 0 : index
    %get3A_64 = arith.constant 1 : index
    %get3A_65 = vector.load %arg10[%get3A_63, %get3A_64] : memref<1x2xf32, #tpu.memory_space<vmem>>, vector<1x1xf32>
    %get3A_66 = vector.extract %get3A_65[0, 0] : f32 from vector<1x1xf32>
    %add3A_67 = vector.broadcast %get3A_66 : f32 to vector<1x4096xf32>
    %add3A_68 = arith.addf %add3A_62, %add3A_67 : vector<1x4096xf32>
    %logistic3A = arith.negf %add3A_68 : vector<1x4096xf32>
    %logistic3A_69 = math.exp %logistic3A : vector<1x4096xf32>
    %logistic3A_70 = arith.constant 1.000000e+00 : f32
    %logistic3A_71 = vector.broadcast %logistic3A_70 : f32 to vector<1x4096xf32>
    %logistic3A_72 = arith.addf %logistic3A_71, %logistic3A_69 : vector<1x4096xf32>
    %logistic3A_73 = arith.divf %logistic3A_71, %logistic3A_72 : vector<1x4096xf32>
    %swap3A = arith.constant 0 : index
    %swap3A_74 = arith.constant 0 : index
    %swap3A_75 = vector.load %arg11[%swap3A, %swap3A_74] : memref<1x4096xf32, #tpu.memory_space<vmem>>, vector<1x4096xf32>
    tpu.vector_store %arg11[%swap3A, %swap3A_74], %logistic3A_73 {strides = array<i32>} : memref<1x4096xf32, #tpu.memory_space<vmem>>, vector<1x4096xf32>,
    return
  }
}

</mosaic_0001>

<sc_bundles>
// kernel: gather_offload_async_start.1
scs
__scs_entry_jumppad:
0x0: {  	(pc) =	sbr.rel $0x88, $3  }
0x1: {  	(tag) =	ssettag $0x0;
	lr =	simm.s32 $0x1  }
0x2: {  	[smem:$0x3F94] =	sst lr;
	_ =	strace $0xD0000000  }
0x3: {  	_ = 	snop  }
0x4: {  	_ = 	snop  }
0x5: {  	_ = 	snop  }
0x6: {  	_ = 	snop  }
0x7: {  	_ = 	snop  }
__scs_overlays_trampoline_lowered:
0x8: {  	[smem:$0x3FA3] =	sst s0  }
0x9: {  	[smem:$0x3FA4] =	sst s1  }
0xa: {  	[smem:$0x3FA5] =	sst s2  }
0xb: {  	[smem:$0x3FA6] =	sst s3  }
0xc: {  	[smem:$0x3FA7] =	sst s4  }
0xd: {  	[smem:$0x3FA8] =	sst s5  }
0xe: {  	[smem:$0x3FA9] =	sst s6  }
0xf: {  	[smem:$0x3FAA] =	sst s7  }
0x10: {  	[smem:$0x3FAB] =	sst s8  }
0x11: {  	[smem:$0x3FAC] =	sst s9;
	s0 =	simm.s32 @!p0 $0x0  }
0x12: {  	s1 =	sld [smem:$0x3F92];
	s0 =	simm.s32 @p0 $0x1  }
0x13: {  	[smem:$0x3FAD] =	sst s0;
	s0 =	simm.s32 @!p1 $0x0  }
0x14: {  	s2 =	sld [smem:$0x3F91];
	s0 =	simm.s32 @p1 $0x1  }
0x15: {  	[smem:$0x3FAE] =	sst s0;
	s0 =	simm.s32 @!p2 $0x0  }
0x16: {  	s3 =	sld [smem:$0x3FDB];
	s0 =	simm.s32 @p2 $0x1  }
0x17: {  	s4 =	simm.s32 $0x1BF5;
	[smem:$0x3FB0] =	sst s0  }
0x18: {  	s0 =	sld [smem:$0x3F93];
	_ =	swait.ge [sflag:s4], $0x0  }
0x19: {  	s7 =	sld [smem:$0x3F94]  }
0x1a: {  	s8 =	sadd.s32 $0xFFFFE003, lr  }
0x1b: {  	s9 =	sadd.s32 $0xFFFFFEF7, lr;
	s5 =	simm.s32 $0xFFFFFFFF;
	p2 =	slt.u32 s8, $0xFFFFF086  }
0x1c: {  	p1 =	slt.u32 s9, $0xF7A;
	s5 =	simm.s32 @!p2 $0x0  }
0x1d: {  	s5 =	simm.s32 @p1 $0x1;
	p0 =	seq.s32 s7, s2  }
0x1e: {  	s7 =	smul.u32 @!p0 $0xF7A, s2;
	p2 =	seq.s32 @!p0 s5, $0x0  }
0x1f: {  	s9 =	smul.u32 $0xF7A, s1;
	s8 =	simm.s32 @!p0 $0x1BF5;
	p2 =	por !p2, p0  }
0x20: {  	[sflag:s8] =	ssyncset.s32 @!p0 $0xFFFFF086;
	s6 =	sadd.s32 @!p0 s3, s7;
	s7 =	simm.s32 @!p0 $0x108  }
0x21: {  	s3 =	sadd.s32 s3, s9;
	s6 =	sadd.s32 @!p0 $0x88, s6;
	s7 =	simm.s32 @p2 $0x1082  }
0x22: {  	[simem:s7], [sflag:s8] =	dma.local @!p0 [hbm:s6], $0xF7A  }
0x23: {  	s9 =	sor.u32 $0xD0000000, s2;
	s6 =	simm.s32 $0x108;
	_ =	swait.ge @!p0 [sflag:s8], $0x0  }
0x24: {  	s3 =	sadd.s32 $0x88, s3;
	s6 =	simm.s32 @!p1 $0x1082;
	[sflag:s4] =	ssyncset.s32 $0xFFFFF086  }
0x25: {  	[simem:s6], [sflag:s4] =	dma.local [hbm:s3], $0xF7A  }
0x26: {  	[smem:$0x3F94] =	sst s1;
	(tag) =	ssettag s2;
	_ =	strace s9  }
0x27: {  	s1 =	sld [smem:$0x3FA4]  }
0x28: {  	s2 =	sld [smem:$0x3FA5]  }
0x29: {  	s4 =	sld [smem:$0x3FA7]  }
0x2a: {  	p0 =	seq.s32 s5, $0x0;
	s5 =	sld [smem:$0x3FA8]  }
0x2b: {  	s6 =	sld [smem:$0x3FA9]  }
0x2c: {  	s7 =	sld [smem:$0x3FAA]  }
0x2d: {  	s3 =	simm.s32 $0x108;
	s8 =	sld [smem:$0x3FAB]  }
0x2e: {  	s3 =	simm.s32 @!p0 $0x1082;
	s9 =	sld [smem:$0x3FAC]  }
0x2f: {  	lr =	sadd.s32 s0, s3;
	s0 =	sld [smem:$0x3FA3]  }
0x30: {  	s3 =	sld [smem:$0x3FA6]  }
0x31: {  	[smem:$0x3FAF] =	sst s10  }
0x32: {  	s10 =	sld [smem:$0x3FAD];
	_ =	sdelay $0x3  }
0x33: {  	p0 =	seq.s32 s10, $0x1;
	s10 =	sld [smem:$0x3FAF];
	_ =	sdelay $0x3  }
0x34: {  	[smem:$0x3FAF] =	sst s10  }
0x35: {  	s10 =	sld [smem:$0x3FAE];
	_ =	sdelay $0x3  }
0x36: {  	p1 =	seq.s32 s10, $0x1;
	s10 =	sld [smem:$0x3FAF];
	_ =	sdelay $0x3  }
0x37: {  	[smem:$0x3FAF] =	sst s10  }
0x38: {  	s10 =	sld [smem:$0x3FB0]  }
0x39: {  	_ = 	snop;
	(pc) =	sbr.ind lr, $3  }
0x3a: {  	_ = 	snop  }
0x3b: {  	_ = 	snop  }
0x3c: {  	p2 =	seq.s32 s10, $0x1;
	s10 =	sld [smem:$0x3FAF]  }
0x3d: {  	_ =	shalt  }
0x3e: {  	_ =	shalt  }
0x3f: {  	_ =	shalt  }
0x40: {  	_ =	shalt  }
0x41: {  	_ =	shalt  }
0x42: {  	_ =	shalt  }
0x43: {  	_ =	shalt  }
0x44: {  	_ =	shalt  }
0x45: {  	_ =	shalt  }
0x46: {  	_ =	shalt  }
0x47: {  	_ =	shalt  }
0x48: {  	_ =	shalt  }
0x49: {  	_ =	shalt  }
0x4a: {  	_ =	shalt  }
0x4b: {  	_ =	shalt  }
0x4c: {  	_ =	shalt  }
0x4d: {  	_ =	shalt  }
0x4e: {  	_ =	shalt  }
0x4f: {  	_ =	shalt  }
0x50: {  	_ =	shalt  }
0x51: {  	_ =	shalt  }
0x52: {  	_ =	shalt  }
0x53: {  	_ =	shalt  }
0x54: {  	_ =	shalt  }
0x55: {  	_ =	shalt  }
0x56: {  	_ =	shalt  }
0x57: {  	_ =	shalt  }
0x58: {  	_ =	shalt  }
0x59: {  	_ =	shalt  }
0x5a: {  	_ =	shalt  }
0x5b: {  	_ =	shalt  }
0x5c: {  	_ =	shalt  }
0x5d: {  	_ =	shalt  }
0x5e: {  	_ =	shalt  }
0x5f: {  	_ =	shalt  }
0x60: {  	_ =	shalt  }
0x61: {  	_ =	shalt  }
0x62: {  	_ =	shalt  }
0x63: {  	_ =	shalt  }
0x64: {  	_ =	shalt  }
0x65: {  	_ =	shalt  }
0x66: {  	_ =	shalt  }
0x67: {  	_ =	shalt  }
0x68: {  	_ =	shalt  }
0x69: {  	_ =	shalt  }
0x6a: {  	_ =	shalt  }
0x6b: {  	_ =	shalt  }
0x6c: {  	_ =	shalt  }
0x6d: {  	_ =	shalt  }
0x6e: {  	_ =	shalt  }
0x6f: {  	_ =	shalt  }
0x70: {  	_ =	shalt  }
0x71: {  	_ =	shalt  }
0x72: {  	_ =	shalt  }
0x73: {  	_ =	shalt  }
0x74: {  	_ =	shalt  }
0x75: {  	_ =	shalt  }
0x76: {  	_ =	shalt  }
0x77: {  	_ =	shalt  }
0x78: {  	_ =	shalt  }
0x79: {  	_ =	shalt  }
0x7a: {  	_ =	shalt  }
0x7b: {  	_ =	shalt  }
0x7c: {  	_ =	shalt  }
0x7d: {  	_ =	shalt  }
0x7e: {  	_ =	shalt  }
0x7f: {  	_ =	shalt  }
0x80: {  	_ =	shalt  }
0x81: {  	_ =	shalt  }
0x82: {  	_ =	shalt  }
0x83: {  	_ =	shalt  }
0x84: {  	_ =	shalt  }
0x85: {  	_ =	shalt  }
0x86: {  	_ =	shalt  }
0x87: {  	_ =	shalt  }
.Lfunc_end0:
.L_simem_size_0:
called_computation.1_lowered:
.L_overlay_start_0:
0x88: {  	s2 =	sld [smem:$0x3FD9]  }
0x89: {  	s3 =	sld [smem:$0x3FFE];
	_ =	sdelay $0x1  }
0x8a: {  	s1 =	srdreg.scid  }
0x8b: {  	s0 =	sand.u32 $0x1, s1  }
0x8c: {  	s17 =	sshll.u32 s0, $0xA;
	s2 =	sadd.s32 s3, s2  }
0x8d: {  	s2 =	sadd.s32 s2, s17  }
0x8e: {  	[smem:$0x3FBB] =	sst s2  }
0x8f: {  	_ = 	snop  }
0x90: {  	s18 =	sld [smem:$0x3FC7];
	(tm) =	ssettm $0x1  }
0x91: {  	s19 =	sld [smem:$0x3FFB];
	_ =	sdelay $0x3  }
0x92: {  	_ =	strace s19  }
0x93: {  	s2 =	sld [smem:$0x3FFC];
	_ =	sdelay $0x3  }
0x94: {  	_ =	strace s2  }
0x95: {  	s2 =	sld [smem:$0x3FFD];
	_ =	sdelay $0x3  }
0x96: {  	_ =	strace s2  }
0x97: {  	_ =	strace $0x8FFFFFFF  }
0x98: {  	s20 =	sld [smem:$0x3FDB];
	_ =	sdelay $0x1  }
0x99: {  	s4 =	simm.s32 $_scs_section_size  }
0x9a: {  	s5 =	simm.s32 $_size__tile_overlayer_lowered;
	s6 =	simm.s32 $_tile_overlayer_lowered  }
0x9b: {  	s7 =	simm.s32 $0x1BFF;
	s21 =	sshll.u32 s6, $0x1;
	s4 =	sadd.s32 s4, s20  }
0x9c: {  	s22 =	simm.s32 $0x0;
	s5 =	sshll.u32 s5, $0x1;
	s6 =	sadd.s32 s21, s4  }
0x9d: {  	[timem:s22], [sflag:s7] =	dma.local [hbm:s6], s5  }
0x9e: {  	_ =	swait.ge [sflag:s7], s5  }
0x9f: {  	s5 =	ssub.s32 $0x0, s5;
	[sflag:s7] =	ssyncset.done $0x0  }
0xa0: {  	[sflag:s7] =	ssyncadd.s32 s5;
	_ =	sdelay $0x1  }
0xa1: {  	s23 =	simm.s32 $0x1B8B  }
0xa2: {  	_ =	swait.ge [sflag:s23], $0x1  }
0xa3: {  	[sflag:s23] =	ssyncset.done $0x0  }
0xa4: {  	[sflag:s23] =	ssyncadd.s32 $0xFFFFFFFF  }
0xa5: {  	s5 =	sld [smem:$0x0]  }
0xa6: {  	s6 =	sand.u32 $0xFFFFFFFE, s1  }
0xa7: {  	p0 =	sne.s32 s1, s6  }
0xa8: {  	s6 =	sshll.u32 @p0 s6, $0xE  }
0xa9: {  	s6 =	sadd.s32 @p0 $0x11B8D, s6;
	s7 =	sshll.u32 @p0 s5, $0x11  }
0xaa: {  	s6 =	sor.u32 @p0 s7, s6  }
0xab: {  	[sflag:s6] =	ssyncadd.remote.s32 @p0 $0x1;
	_ =	sdelay $0x1  }
0xac: {  	s6 =	simm.s32 @p0 $0x1B8D  }
0xad: {  	_ =	swait.eq @p0 [sflag:s6], $0x1  }
0xae: {  	[sflag:s6] =	ssyncadd.s32 @p0 $0xFFFFFFFF  }
0xaf: {  	s7 =	sshll.u32 @!p0 s1, $0xE  }
0xb0: {  	s7 =	sor.u32 @!p0 $0x4000, s7;
	s6 =	simm.s32 @!p0 $0x1B8D  }
0xb1: {  	s5 =	sshll.u32 @!p0 s5, $0x11;
	s7 =	sadd.s32 @!p0 $0x11B8D, s7;
	_ =	swait.eq @!p0 [sflag:s6], $0x1  }
0xb2: {  	s5 =	sor.u32 @!p0 s5, s7;
	[sflag:s6] =	ssyncadd.s32 @!p0 $0xFFFFFFFF  }
0xb3: {  	s25 =	simm.s32 $0x1B8E;
	s24 =	sld [smem:$0x3FFE];
	[sflag:s5] =	ssyncadd.remote.s32 @!p0 $0x1  }
0xb4: {  	s26 =	simm.s32 $execute0_lowered;
	[smem:$0x3FD2] =	sst s25  }
0xb5: {  	s6 =	sshll.u32 s26, $0x1;
	_ =	strace $0x80000049;
	[dreg:$0x1] =	wrdreg $0xFFFFFFFF  }
0xb6: {  	s28 =	simm.s32 $_size_execute0_lowered;
	s4 =	sadd.s32 s4, s6;
	[dreg:$0x0] =	wrdreg $0x0  }
0xb7: {  	s6 =	sshll.u32 s28, $0x1;
	[dreg:$0x2] =	wrdreg s4  }
0xb8: {  	[dreg:$0x3] =	wrdreg s6  }
0xb9: {  	[dreg:$0x4] =	wrdreg $0xC0  }
0xba: {  	_ =	task [dreg:s22], $0x5FFFF  }
0xbb: {  	[dreg:$0x1] =	wrdreg $0xFFFFFFFF  }
0xbc: {  	[dreg:$0x0] =	wrdreg $0x60  }
0xbd: {  	[dreg:$0x2] =	wrdreg s18  }
0xbe: {  	[dreg:$0x3] =	wrdreg s24  }
0xbf: {  	[dreg:$0x4] =	wrdreg $0xA  }
0xc0: {  	_ =	task.clear_ibuf [dreg:s22], $0x5FFFF;
	_ =	strace $0x90000049  }
0xc1: {  	s29 =	simm.s32 $0xA;
	_ =	strace $0x8000004B  }
0xc2: {  	_ =	swait.ge [sflag:s29], $0x1  }
0xc3: {  	[sflag:s29] =	ssyncadd.s32 $0xFFFFFFFF  }
0xc4: {  	_ =	strace $0x9000004B  }
0xc5: {  	_ =	sfence  }
0xc6: {  	s30 =	sld [smem:$0x0];
	_ =	sdelay $0x2  }
0xc7: {  	s31 =	sshll.u32 s1, $0xD;
	s1 =	sshrl.u32 s1, $0x2  }
0xc8: {  	s4 =	sand.u32 $0x4000, s31;
	s1 =	sadd.s32 s1, s30  }
0xc9: {  	s0 =	sor.u32 s4, s0;
	s1 =	sshll.u32 s1, $0x11  }
0xca: {  	s0 =	sor.u32 s1, s0  }
0xcb: {  	s0 =	sadd.s32 $0x8F2B, s0  }
0xcc: {  	[sflag:s0] =	ssyncadd.remote.s32 $0x1  }
0xcd: {  	_ =	sfence.sel $0xFFFF  }
0xce: {  	[dreg:$0x0] =	wrdreg $0xFFFFFFFF;
	(pc) =	sbr.abs _section_cstart, $3  }
0xcf: {  	[dreg:$0x1] =	wrdreg $0xFFFFFFFF  }
0xd0: {  	_ =	task.clear_ibuf [dreg:s22], $0x2FFFF;
	_ =	strace $0x9FFFFFFF  }
0xd1: {  	(tm) =	ssettm $0x7FFFFFFF  }
tec
execute0_lowered:
.L_overlay_start_1:
0x0: {  	(tag) =	ssettag $0x1  }
0x1: {  	s0 =	stileid.u32;
	s2 =	rddreg [dreg:$0x0]  }
0x2: {  	s1 =	srdreg.scid;
	s9 =	rddreg [dreg:$0x1]  }
0x3: {  	s4 =	simm.s32 $0x1;
	s6 =	simm.s32 $0x2;
	s11 =	simm.s32 $0x1  }
0x4: {  	s31 =	simm.s32 $0x3;
	s1 =	sand.u32 $0x1, s1;
	s3 =	sshll.u32 s0, $0x1  }
0x5: {  	s13 =	simm.s32 $0x0;
	s12 =	simm.s32 $0x0;
	s7 =	sor.u32 s3, s1  }
0x6: {  	s1 =	rddreg [dreg:$0x2];
	_ =	strace $0x8000004A;
	s3 =	smul.u32 $0xD00, s7  }
0x7: {  	[sflag:s4] =	ssyncpa.u1 $0x0;
	p0 =	seq.s32 s7, $0x0;
	s7 =	simm.s32 $0x1A000  }
0x8: {  	s7 =	simm.s32 @!p0 $0x0;
	s11 =	simm.s32 @!p0 $0x0;
	[sflag:s6] =	ssyncpa.u1 $0x0  }
.Ltmp0:
0x9: {  	s5 =	sshrl.u32 s3, $0x3;
	s10 =	ssub.s32 $0x1A000, s3;
	(pc) =	sbr.rel .LBB2_1-.Ltmp0, $4  }
0xa: {  	[sflag:s31] =	ssyncpa.u1 $0x0;
	p0 =	sne.s32 s10, s7;
	s7 =	simm.s32 $0x1  }
0xb: {  	s8 =	sadd.s32 s5, s9;
	s5 =	sadd.s32 $0x47400, s9;
	s7 =	simm.s32 @!p0 $0x0  }
0xc: {  	s9 =	sadd.s32 $0x61400, s9;
	s8 =	sadd.s32 $0x4000, s8;
	s7 =	sadd.s32 s11, s7  }
0xd: {  	vm0 =	vmmov $0xffff;
	p0 =	por $0x0, $0x0;
	s11 =	simm.s32 $0x0;
	s10 =	sadd.s32 $0x1, s7  }
.LBB2_4:
0xe: {  	_ =	sdelay $0x2  }
0xf: {  	(ifvalue) =	ssetifvalue $0x7FFFFFFF  }
0x10: {  	[tilespmem:s20], [sflag:$0x1] =	stream.indirect_vreg.gather [hbm4b:s2+s11], $0x1, v0, vm0, $0x4038;
	[tilespmem:$0x1BA00] =	vst v63  }
0x11: {  	_ =	swait.ge [sflag:s4], $0xD000  }
0x12: {  	[sflag:s4] =	ssyncset.done $0x0  }
0x13: {  	s16 =	sadd.s32 s5, s13;
	[sflag:s4] =	ssyncadd.s32 $0xFFFF3000  }
0x14: {  	[hbm:s16] =	stream.linear.scatter [tilespmem:s15], [sflag:$0x3], $0x6800, $0x38;
	[tilespmem:$0x1BA00] =	vst v63  }
0x15: {  	s14 =	sadd.s32 $0x8200, s14;
	s31 =	sadd.s32 s13, s9  }
0x16: {  	[hbm:s31] =	stream.linear.scatter [tilespmem:s14], [sflag:$0x3], $0x6800, $0x38;
	[tilespmem:$0x1BA00] =	vst v63  }
.LBB2_5:
0x17: {  	p2 =	sne.s32 s12, s10  }
.Ltmp1:
0x18: {  	p1 =	slt.u32 s12, $0x2;
	(pc) =	sbr.rel @!p2 .LBB2_6-.Ltmp1, $4  }
0x19: {  	s13 =	simm.s32 @!p1 $0x3  }
0x1a: {  	_ =	swait.ge @!p1 [sflag:s13], $0xD000  }
0x1b: {  	s14 =	sadd.s32 $0x1, s12;
	p0 =	por !p0, !p0;
	[sflag:s13] =	ssyncset.done @!p1 $0x0  }
0x1c: {  	s12 =	smov.u32 s14;
	[sflag:s13] =	ssyncadd.s32 @!p1 $0xFFFF3000;
	s13 =	smov.u32 s3  }
.LBB2_1:
0x1d: {  	p1 =	sge.u32 s12, s7  }
0x1e: {  	s14 =	sxor.u32 @!p1 $0x1, s12  }
0x1f: {  	s14 =	smul.u32 @!p1 $0x3400, s14;
	_ =	sdelay $0x1  }
0x20: {  	s31 =	sadd.s32 $0xFFFFFFFF, s12;
	s15 =	simm.s32 @!p1 $0x0;
	s14 =	sshra.s32 @!p1 s14, $0x2  }
0x21: {  	[tilespmem:s14], [sflag:$0x2] =	stream.linear.gather @!p1 [hbm4b:s8+s15], $0xD00, $0x38;
	[tilespmem:$0x1BA00] =	vst v63  }
0x22: {  	p1 =	sge.u32 s31, s7  }
.Ltmp2:
0x23: {  	_ = 	snop;
	(pc) =	sbr.rel @p1 .LBB2_5-.Ltmp2, $1  }
0x24: {  	_ =	sdelay $0x3  }
0x25: {  	s14 =	simm.s32 $0x1  }
0x26: {  	s14 =	simm.s32 @!p0 $0x0  }
0x27: {  	_ =	swait.ge [sflag:s6], $0xD00;
	s14 =	smul.u32 $0x3400, s14  }
0x28: {  	[sflag:s6] =	ssyncset.done $0x0  }
0x29: {  	[sflag:s6] =	ssyncadd.s32 $0xFFFFF300;
	s18 =	sshrl.u32 s14, $0x2  }
0x2a: {  	v0 =	vld.msk [tilespmem:s18+$0x0 ss:$0x1], $0xffff;
	_ =	sdelay $0x4  }
0x2b: {  	v1 =	vshrl.u32 v0, $0x5  }
0x2c: {  	v2 =	vand.u32 $0x1F, v0;
	vm1 =	veq.s32 v0, $0x80000000;
	v0 =	vand.u32 $0x1FFFF, v1  }
0x2d: {  	v1 =	vmul.u32 $0x187000, v2;
	v0 =	vsel vm1, $0xFFFFFFFF, v0  }
0x2e: {  	v2 =	vshll.u32 v0, $0x3  }
0x2f: {  	s30 =	sand.u32 $0x1, s12;
	v1 =	vsel vm1, $0xFFE79000, v1;
	v2 =	vand.u32 $0xFFFFFC00, v2  }
0x30: {  	s14 =	smul.u32 $0x34000, s30;
	v0 =	vand.u32 $0x7F, v0;
	v1 =	vadd.s32 v1, v2  }
0x31: {  	v0 =	vor.u32 v0, v1  }
0x32: {  	s16 =	simm.s32 $0x0;
	s14 =	sshrl.u32 s14, $0x2  }
0x33: {  	s17 =	sand.u32 $0x7C00, s16;
	s15 =	sadd.s32 $0x1A00, s14  }
0x34: {  	s19 =	sand.u32 $0x70, s16;
	(ifvalue) =	ssetifvalue $0x7FFFFFFF;
	s17 =	sadd.s32 s17, s15;
	v1 =	vor.u32 $0x80, v0  }
0x35: {  	(ifvalue) =	ssetifvalue $0x7FFFFFFF;
	s19 =	sadd.s32 s19, s17  }
0x36: {  	[tilespmem:s19], [sflag:$0x1] =	stream.indirect_vreg.gather [hbm4b:s2+s11], $0x1, v0, vm0, $0x4038;
	[tilespmem:$0x1BA00] =	vst v63  }
0x37: {  	v2 =	vor.u32 $0x100, v0;
	(ifvalue) =	ssetifvalue $0x7FFFFFFF  }
0x38: {  	s17 =	sadd.s32 $0x80, s19;
	(ifvalue) =	ssetifvalue $0x7FFFFFFF  }
0x39: {  	[tilespmem:s17], [sflag:$0x1] =	stream.indirect_vreg.gather [hbm4b:s2+s11], $0x1, v1, vm0, $0x4038;
	[tilespmem:$0x1BA00] =	vst v63  }
0x3a: {  	v1 =	vor.u32 $0x180, v0;
	(ifvalue) =	ssetifvalue $0x7FFFFFFF  }
0x3b: {  	s31 =	sadd.s32 $0x100, s19;
	(ifvalue) =	ssetifvalue $0x7FFFFFFF  }
0x3c: {  	[tilespmem:s31], [sflag:$0x1] =	stream.indirect_vreg.gather [hbm4b:s2+s11], $0x1, v2, vm0, $0x4038;
	[tilespmem:$0x1BA00] =	vst v63  }
0x3d: {  	v2 =	vor.u32 $0x200, v0;
	(ifvalue) =	ssetifvalue $0x7FFFFFFF  }
0x3e: {  	s20 =	sadd.s32 $0x180, s19;
	(ifvalue) =	ssetifvalue $0x7FFFFFFF  }
0x3f: {  	[tilespmem:s20], [sflag:$0x1] =	stream.indirect_vreg.gather [hbm4b:s2+s11], $0x1, v1, vm0, $0x4038;
	[tilespmem:$0x1BA00] =	vst v63  }
0x40: {  	(ifvalue) =	ssetifvalue $0x7FFFFFFF;
	v1 =	vor.u32 $0x280, v0  }
0x41: {  	s21 =	sadd.s32 $0x200, s19;
	(ifvalue) =	ssetifvalue $0x7FFFFFFF  }
0x42: {  	[tilespmem:s21], [sflag:$0x1] =	stream.indirect_vreg.gather [hbm4b:s2+s11], $0x1, v2, vm0, $0x4038;
	[tilespmem:$0x1BA00] =	vst v63  }
0x43: {  	(ifvalue) =	ssetifvalue $0x7FFFFFFF;
	v2 =	vor.u32 $0x300, v0  }
0x44: {  	s23 =	sand.u32 $0x7, s16;
	s22 =	sadd.s32 $0x280, s19;
	(ifvalue) =	ssetifvalue $0x7FFFFFFF  }
0x45: {  	[tilespmem:s22], [sflag:$0x1] =	stream.indirect_vreg.gather [hbm4b:s2+s11], $0x1, v1, vm0, $0x4038;
	[tilespmem:$0x1BA00] =	vst v63  }
0x46: {  	s17 =	sshll.u32 s23, $0x4;
	(ifvalue) =	ssetifvalue $0x7FFFFFFF;
	v1 =	vor.u32 $0x380, v0  }
0x47: {  	s17 =	sadd.s32 $0x0, s17;
	s20 =	sadd.s32 $0x300, s19;
	(ifvalue) =	ssetifvalue $0x7FFFFFFF  }
0x48: {  	[tilespmem:s20], [sflag:$0x1] =	stream.indirect_vreg.gather [hbm4b:s2+s11], $0x1, v2, vm0, $0x4038;
	[tilespmem:$0x1BA00] =	vst v63  }
0x49: {  	s17 =	sor.u32 $0x380, s17;
	(ifvalue) =	ssetifvalue $0x7FFFFFFF;
	v2 =	vadd.s32 $0xC3800, v0  }
0x4a: {  	s17 =	sadd.s32 s17, s15;
	(ifvalue) =	ssetifvalue $0x7FFFFFFF  }
0x4b: {  	[tilespmem:s17], [sflag:$0x1] =	stream.indirect_vreg.gather [hbm4b:s2+s11], $0x1, v1, vm0, $0x4038;
	[tilespmem:$0x1BA00] =	vst v63  }
0x4c: {  	v1 =	vadd.s32 $0xC3880, v0;
	(ifvalue) =	ssetifvalue $0x7FFFFFFF  }
0x4d: {  	s24 =	sadd.s32 $0x6800, s19;
	(ifvalue) =	ssetifvalue $0x7FFFFFFF  }
0x4e: {  	[tilespmem:s24], [sflag:$0x1] =	stream.indirect_vreg.gather [hbm4b:s2+s11], $0x1, v2, vm0, $0x4038;
	[tilespmem:$0x1BA00] =	vst v63  }
0x4f: {  	v2 =	vadd.s32 $0xC3900, v0;
	(ifvalue) =	ssetifvalue $0x7FFFFFFF  }
0x50: {  	s25 =	sadd.s32 $0x6880, s19;
	(ifvalue) =	ssetifvalue $0x7FFFFFFF  }
0x51: {  	[tilespmem:s25], [sflag:$0x1] =	stream.indirect_vreg.gather [hbm4b:s2+s11], $0x1, v1, vm0, $0x4038;
	[tilespmem:$0x1BA00] =	vst v63  }
0x52: {  	v1 =	vadd.s32 $0xC3980, v0;
	(ifvalue) =	ssetifvalue $0x7FFFFFFF  }
0x53: {  	s26 =	sadd.s32 $0x6900, s19;
	(ifvalue) =	ssetifvalue $0x7FFFFFFF  }
0x54: {  	[tilespmem:s26], [sflag:$0x1] =	stream.indirect_vreg.gather [hbm4b:s2+s11], $0x1, v2, vm0, $0x4038;
	[tilespmem:$0x1BA00] =	vst v63  }
0x55: {  	v2 =	vadd.s32 $0xC3A00, v0;
	(ifvalue) =	ssetifvalue $0x7FFFFFFF  }
0x56: {  	s28 =	sadd.s32 $0x6980, s19;
	(ifvalue) =	ssetifvalue $0x7FFFFFFF  }
0x57: {  	[tilespmem:s28], [sflag:$0x1] =	stream.indirect_vreg.gather [hbm4b:s2+s11], $0x1, v1, vm0, $0x4038;
	[tilespmem:$0x1BA00] =	vst v63  }
0x58: {  	v1 =	vadd.s32 $0xC3A80, v0;
	(ifvalue) =	ssetifvalue $0x7FFFFFFF  }
0x59: {  	s29 =	sadd.s32 $0x6A00, s19;
	(ifvalue) =	ssetifvalue $0x7FFFFFFF  }
0x5a: {  	[tilespmem:s29], [sflag:$0x1] =	stream.indirect_vreg.gather [hbm4b:s2+s11], $0x1, v2, vm0, $0x4038;
	[tilespmem:$0x1BA00] =	vst v63  }
0x5b: {  	v2 =	vadd.s32 $0xC3B00, v0;
	(ifvalue) =	ssetifvalue $0x7FFFFFFF  }
0x5c: {  	s30 =	sadd.s32 $0x6A80, s19;
	(ifvalue) =	ssetifvalue $0x7FFFFFFF  }
0x5d: {  	[tilespmem:s30], [sflag:$0x1] =	stream.indirect_vreg.gather [hbm4b:s2+s11], $0x1, v1, vm0, $0x4038;
	[tilespmem:$0x1BA00] =	vst v63  }
0x5e: {  	s18 =	sadd.s32 $0x10, s18;
	v0 =	vadd.s32 $0xC3B80, v0;
	(ifvalue) =	ssetifvalue $0x7FFFFFFF  }
0x5f: {  	s31 =	sadd.s32 $0x6B00, s19;
	s20 =	sadd.s32 $0x6B80, s19;
	(ifvalue) =	ssetifvalue $0x7FFFFFFF  }
0x60: {  	[tilespmem:s31], [sflag:$0x1] =	stream.indirect_vreg.gather [hbm4b:s2+s11], $0x1, v2, vm0, $0x4038;
	[tilespmem:$0x1BA00] =	vst v63  }
0x61: {  	s19 =	simm.s32 $0x0;
	s17 =	simm.s32 $0x10;
	(ifvalue) =	ssetifvalue $0x7FFFFFFF  }
.LBB2_3:
0x62: {  	(ifvalue) =	ssetifvalue $0x7FFFFFFF;
	s16 =	sadd.s32 $0x80, s16;
	s19 =	sadd.s32 $0x1, s19  }
0x63: {  	[tilespmem:s20], [sflag:$0x1] =	stream.indirect_vreg.gather [hbm4b:s2+s11], $0x1, v0, vm0, $0x4038;
	[tilespmem:$0x1BA00] =	vst v63  }
0x64: {  	p1 =	sne.s32 s17, $0xCF0;
	s20 =	smov.u32 s17;
	s17 =	sadd.s32 $0x10, s17;
	v0 =	vld.msk [tilespmem:s18+$0x0 ss:$0x1], $0xffff  }
0x65: {  	(ifvalue) =	ssetifvalue $0x7FFFFFFF;
	_ =	sdelay $0x4  }
0x66: {  	v1 =	vand.u32 $0x1F, v0;
	v2 =	vshrl.u32 v0, $0x5  }
0x67: {  	vm1 =	veq.s32 v0, $0x80000000;
	v0 =	vand.u32 $0x1FFFF, v2;
	v1 =	vmul.u32 $0x187000, v1  }
0x68: {  	v0 =	vsel vm1, $0xFFFFFFFF, v0  }
0x69: {  	v1 =	vsel vm1, $0xFFE79000, v1;
	v2 =	vshll.u32 v0, $0x3  }
0x6a: {  	v2 =	vand.u32 $0xFFFFFC00, v2  }
0x6b: {  	v0 =	vand.u32 $0x7F, v0;
	v1 =	vadd.s32 v1, v2  }
0x6c: {  	v0 =	vor.u32 v0, v1;
	_ =	sdelay $0x1  }
0x6d: {  	s21 =	sand.u32 $0x7C00, s16  }
0x6e: {  	s20 =	sand.u32 $0x70, s20;
	s21 =	sadd.s32 s21, s15;
	v1 =	vor.u32 $0x80, v0  }
0x6f: {  	s20 =	sadd.s32 s20, s21;
	(ifvalue) =	ssetifvalue $0x7FFFFFFF  }
0x70: {  	[tilespmem:s20], [sflag:$0x1] =	stream.indirect_vreg.gather [hbm4b:s2+s11], $0x1, v0, vm0, $0x4038;
	[tilespmem:$0x1BA00] =	vst v63  }
0x71: {  	v2 =	vor.u32 $0x100, v0;
	(ifvalue) =	ssetifvalue $0x7FFFFFFF  }
0x72: {  	s21 =	sadd.s32 $0x80, s20;
	(ifvalue) =	ssetifvalue $0x7FFFFFFF  }
0x73: {  	[tilespmem:s21], [sflag:$0x1] =	stream.indirect_vreg.gather [hbm4b:s2+s11], $0x1, v1, vm0, $0x4038;
	[tilespmem:$0x1BA00] =	vst v63  }
0x74: {  	v1 =	vor.u32 $0x180, v0;
	(ifvalue) =	ssetifvalue $0x7FFFFFFF  }
0x75: {  	s21 =	sadd.s32 $0x100, s20;
	(ifvalue) =	ssetifvalue $0x7FFFFFFF  }
0x76: {  	[tilespmem:s21], [sflag:$0x1] =	stream.indirect_vreg.gather [hbm4b:s2+s11], $0x1, v2, vm0, $0x4038;
	[tilespmem:$0x1BA00] =	vst v63  }
0x77: {  	v2 =	vor.u32 $0x200, v0;
	(ifvalue) =	ssetifvalue $0x7FFFFFFF  }
0x78: {  	s21 =	sadd.s32 $0x180, s20;
	(ifvalue) =	ssetifvalue $0x7FFFFFFF  }
0x79: {  	[tilespmem:s21], [sflag:$0x1] =	stream.indirect_vreg.gather [hbm4b:s2+s11], $0x1, v1, vm0, $0x4038;
	[tilespmem:$0x1BA00] =	vst v63  }
0x7a: {  	v1 =	vor.u32 $0x280, v0;
	(ifvalue) =	ssetifvalue $0x7FFFFFFF  }
0x7b: {  	s21 =	sadd.s32 $0x200, s20;
	(ifvalue) =	ssetifvalue $0x7FFFFFFF  }
0x7c: {  	[tilespmem:s21], [sflag:$0x1] =	stream.indirect_vreg.gather [hbm4b:s2+s11], $0x1, v2, vm0, $0x4038;
	[tilespmem:$0x1BA00] =	vst v63  }
0x7d: {  	v2 =	vor.u32 $0x300, v0;
	(ifvalue) =	ssetifvalue $0x7FFFFFFF  }
0x7e: {  	s21 =	sadd.s32 $0x280, s20;
	(ifvalue) =	ssetifvalue $0x7FFFFFFF  }
0x7f: {  	[tilespmem:s21], [sflag:$0x1] =	stream.indirect_vreg.gather [hbm4b:s2+s11], $0x1, v1, vm0, $0x4038;
	[tilespmem:$0x1BA00] =	vst v63  }
0x80: {  	s21 =	sand.u32 $0x7, s19;
	v1 =	vor.u32 $0x380, v0;
	(ifvalue) =	ssetifvalue $0x7FFFFFFF  }
0x81: {  	s22 =	sadd.s32 $0x300, s20;
	s21 =	sshll.u32 s21, $0x4;
	(ifvalue) =	ssetifvalue $0x7FFFFFFF  }
0x82: {  	[tilespmem:s22], [sflag:$0x1] =	stream.indirect_vreg.gather [hbm4b:s2+s11], $0x1, v2, vm0, $0x4038;
	[tilespmem:$0x1BA00] =	vst v63  }
0x83: {  	s21 =	sadd.s32 s21, s16;
	v2 =	vadd.s32 $0xC3800, v0;
	(ifvalue) =	ssetifvalue $0x7FFFFFFF  }
0x84: {  	s21 =	sor.u32 $0x380, s21;
	(ifvalue) =	ssetifvalue $0x7FFFFFFF  }
0x85: {  	s21 =	sadd.s32 s21, s15  }
0x86: {  	[tilespmem:s21], [sflag:$0x1] =	stream.indirect_vreg.gather [hbm4b:s2+s11], $0x1, v1, vm0, $0x4038;
	v1 =	vadd.s32 $0xC3880, v0;
	[tilespmem:$0x1BA00] =	vst v63  }
0x87: {  	s21 =	sadd.s32 $0x6800, s20;
	(ifvalue) =	ssetifvalue $0x7FFFFFFF  }
0x88: {  	(ifvalue) =	ssetifvalue $0x7FFFFFFF  }
0x89: {  	[tilespmem:s21], [sflag:$0x1] =	stream.indirect_vreg.gather [hbm4b:s2+s11], $0x1, v2, vm0, $0x4038;
	v2 =	vadd.s32 $0xC3900, v0;
	[tilespmem:$0x1BA00] =	vst v63  }
0x8a: {  	s21 =	sadd.s32 $0x6880, s20;
	(ifvalue) =	ssetifvalue $0x7FFFFFFF  }
0x8b: {  	(ifvalue) =	ssetifvalue $0x7FFFFFFF  }
0x8c: {  	[tilespmem:s21], [sflag:$0x1] =	stream.indirect_vreg.gather [hbm4b:s2+s11], $0x1, v1, vm0, $0x4038;
	v1 =	vadd.s32 $0xC3980, v0;
	[tilespmem:$0x1BA00] =	vst v63  }
0x8d: {  	s21 =	sadd.s32 $0x6900, s20;
	(ifvalue) =	ssetifvalue $0x7FFFFFFF  }
0x8e: {  	(ifvalue) =	ssetifvalue $0x7FFFFFFF  }
0x8f: {  	[tilespmem:s21], [sflag:$0x1] =	stream.indirect_vreg.gather [hbm4b:s2+s11], $0x1, v2, vm0, $0x4038;
	v2 =	vadd.s32 $0xC3A00, v0;
	[tilespmem:$0x1BA00] =	vst v63  }
0x90: {  	s21 =	sadd.s32 $0x6980, s20;
	(ifvalue) =	ssetifvalue $0x7FFFFFFF  }
0x91: {  	(ifvalue) =	ssetifvalue $0x7FFFFFFF  }
0x92: {  	[tilespmem:s21], [sflag:$0x1] =	stream.indirect_vreg.gather [hbm4b:s2+s11], $0x1, v1, vm0, $0x4038;
	v1 =	vadd.s32 $0xC3A80, v0;
	[tilespmem:$0x1BA00] =	vst v63  }
0x93: {  	s21 =	sadd.s32 $0x6A00, s20;
	(ifvalue) =	ssetifvalue $0x7FFFFFFF  }
0x94: {  	(ifvalue) =	ssetifvalue $0x7FFFFFFF  }
0x95: {  	[tilespmem:s21], [sflag:$0x1] =	stream.indirect_vreg.gather [hbm4b:s2+s11], $0x1, v2, vm0, $0x4038;
	v2 =	vadd.s32 $0xC3B00, v0;
	[tilespmem:$0x1BA00] =	vst v63  }
0x96: {  	s21 =	sadd.s32 $0x6A80, s20;
	(ifvalue) =	ssetifvalue $0x7FFFFFFF  }
0x97: {  	(ifvalue) =	ssetifvalue $0x7FFFFFFF  }
0x98: {  	[tilespmem:s21], [sflag:$0x1] =	stream.indirect_vreg.gather [hbm4b:s2+s11], $0x1, v1, vm0, $0x4038;
	[tilespmem:$0x1BA00] =	vst v63  }
.Ltmp3:
0x99: {  	v0 =	vadd.s32 $0xC3B80, v0;
	(pc) =	sbr.rel @p1 .LBB2_3-.Ltmp3, $4  }
0x9a: {  	s21 =	sadd.s32 $0x6B00, s20;
	(ifvalue) =	ssetifvalue $0x7FFFFFFF  }
0x9b: {  	(ifvalue) =	ssetifvalue $0x7FFFFFFF  }
0x9c: {  	[tilespmem:s21], [sflag:$0x1] =	stream.indirect_vreg.gather [hbm4b:s2+s11], $0x1, v2, vm0, $0x4038;
	[tilespmem:$0x1BA00] =	vst v63  }
0x9d: {  	s18 =	sadd.s32 $0x10, s18;
	s20 =	sadd.s32 $0x6B80, s20;
	(ifvalue) =	ssetifvalue $0x7FFFFFFF  }
.Ltmp4:
0x9e: {  	_ = 	snop;
	(pc) =	sbr.rel .LBB2_4-.Ltmp4, $1  }
0x9f: {  	_ =	sdelay $0x3  }
.LBB2_6:
0xa0: {  	_ =	sfence.sel $0x180000  }
0xa1: {  	s2 =	simm.s32 $0x2;
	[bflag:$0x0] =	sbarrier.arrive $0xFFFF  }
0xa2: {  	s30 =	simm.s32 $0x3;
	[sflag:s2] =	ssyncpa.u1 $0x1  }
0xa3: {  	s31 =	simm.s32 $0x1;
	[sflag:s30] =	ssyncpa.u1 $0x1  }
0xa4: {  	[sflag:s31] =	ssyncpa.u1 $0x1  }
0xa5: {  	p0 =	sne.s32 s0, $0x0;
	_ =	strace $0x9000004A  }
0xa6: {  	s0 =	sadd.s32 @!p0 $0x100000, s1;
	[bflag:$0x2] =	sbarrier.arrive $0xFFFF  }
0xa7: {  	[sflag:s0] =	ssyncadd.tile.s32 @!p0 $0x1;
	_ =	shalt  }
.Lfunc_end2:
_tile_overlayer_lowered:
.L_overlay_start_2:
0xa8: {  	(tag) =	ssettag $0x2  }
0xa9: {  	s0 =	rddreg [dreg:$0x0];
	s2 =	stileid.u32  }
0xaa: {  	s1 =	rddreg [dreg:$0x1];
	p0 =	sne.s32 s2, $0x0  }
0xab: {  	s3 =	rddreg [dreg:$0x2];
	[bflag:$0x3] =	sbarrier.arrive $0xFFFF;
	s2 =	simm.s32 @!p0 $0x1C01  }
0xac: {  	[timem:s3], [sflag:s2] =	dma.local @!p0 [hbm:s0], s1  }
0xad: {  	s0 =	simm.s32 @!p0 $0x1  }
0xae: {  	_ =	swait.ge @!p0 [sflag:s0], s1  }
0xaf: {  	s1 =	ssub.s32 @!p0 $0x0, s1;
	[sflag:s0] =	ssyncset.done @!p0 $0x0  }
0xb0: {  	[sflag:s0] =	ssyncadd.s32 @!p0 s1  }
0xb1: {  	[bflag:$0x3] =	sbarrier.arrive $0xFFFF  }
0xb2: {  	_ =	shalt  }

// kernel: gather_offload_async_start.2
scs
__scs_entry_jumppad:
0x0: {  	(pc) =	sbr.rel $0x88, $3  }
0x1: {  	(tag) =	ssettag $0x0;
	lr =	simm.s32 $0x1  }
0x2: {  	[smem:$0x3F94] =	sst lr;
	_ =	strace $0xD0000000  }
0x3: {  	_ = 	snop  }
0x4: {  	_ = 	snop  }
0x5: {  	_ = 	snop  }
0x6: {  	_ = 	snop  }
0x7: {  	_ = 	snop  }
__scs_overlays_trampoline_lowered:
0x8: {  	[smem:$0x3FA3] =	sst s0  }
0x9: {  	[smem:$0x3FA4] =	sst s1  }
0xa: {  	[smem:$0x3FA5] =	sst s2  }
0xb: {  	[smem:$0x3FA6] =	sst s3  }
0xc: {  	[smem:$0x3FA7] =	sst s4  }
0xd: {  	[smem:$0x3FA8] =	sst s5  }
0xe: {  	[smem:$0x3FA9] =	sst s6  }
0xf: {  	[smem:$0x3FAA] =	sst s7  }
0x10: {  	[smem:$0x3FAB] =	sst s8  }
0x11: {  	[smem:$0x3FAC] =	sst s9;
	s0 =	simm.s32 @!p0 $0x0  }
0x12: {  	s1 =	sld [smem:$0x3F92];
	s0 =	simm.s32 @p0 $0x1  }
0x13: {  	[smem:$0x3FAD] =	sst s0;
	s0 =	simm.s32 @!p1 $0x0  }
0x14: {  	s2 =	sld [smem:$0x3F91];
	s0 =	simm.s32 @p1 $0x1  }
0x15: {  	[smem:$0x3FAE] =	sst s0;
	s0 =	simm.s32 @!p2 $0x0  }
0x16: {  	s3 =	sld [smem:$0x3FDB];
	s0 =	simm.s32 @p2 $0x1  }
0x17: {  	s4 =	simm.s32 $0x1BF5;
	[smem:$0x3FB0] =	sst s0  }
0x18: {  	s0 =	sld [smem:$0x3F93];
	_ =	swait.ge [sflag:s4], $0x0  }
0x19: {  	s7 =	sld [smem:$0x3F94]  }
0x1a: {  	s8 =	sadd.s32 $0xFFFFE003, lr  }
0x1b: {  	s9 =	sadd.s32 $0xFFFFFEF7, lr;
	s5 =	simm.s32 $0xFFFFFFFF;
	p2 =	slt.u32 s8, $0xFFFFF086  }
0x1c: {  	p1 =	slt.u32 s9, $0xF7A;
	s5 =	simm.s32 @!p2 $0x0  }
0x1d: {  	s5 =	simm.s32 @p1 $0x1;
	p0 =	seq.s32 s7, s2  }
0x1e: {  	s7 =	smul.u32 @!p0 $0xF7A, s2;
	p2 =	seq.s32 @!p0 s5, $0x0  }
0x1f: {  	s9 =	smul.u32 $0xF7A, s1;
	s8 =	simm.s32 @!p0 $0x1BF5;
	p2 =	por !p2, p0  }
0x20: {  	[sflag:s8] =	ssyncset.s32 @!p0 $0xFFFFF086;
	s6 =	sadd.s32 @!p0 s3, s7;
	s7 =	simm.s32 @!p0 $0x108  }
0x21: {  	s3 =	sadd.s32 s3, s9;
	s6 =	sadd.s32 @!p0 $0x88, s6;
	s7 =	simm.s32 @p2 $0x1082  }
0x22: {  	[simem:s7], [sflag:s8] =	dma.local @!p0 [hbm:s6], $0xF7A  }
0x23: {  	s9 =	sor.u32 $0xD0000000, s2;
	s6 =	simm.s32 $0x108;
	_ =	swait.ge @!p0 [sflag:s8], $0x0  }
0x24: {  	s3 =	sadd.s32 $0x88, s3;
	s6 =	simm.s32 @!p1 $0x1082;
	[sflag:s4] =	ssyncset.s32 $0xFFFFF086  }
0x25: {  	[simem:s6], [sflag:s4] =	dma.local [hbm:s3], $0xF7A  }
0x26: {  	[smem:$0x3F94] =	sst s1;
	(tag) =	ssettag s2;
	_ =	strace s9  }
0x27: {  	s1 =	sld [smem:$0x3FA4]  }
0x28: {  	s2 =	sld [smem:$0x3FA5]  }
0x29: {  	s4 =	sld [smem:$0x3FA7]  }
0x2a: {  	p0 =	seq.s32 s5, $0x0;
	s5 =	sld [smem:$0x3FA8]  }
0x2b: {  	s6 =	sld [smem:$0x3FA9]  }
0x2c: {  	s7 =	sld [smem:$0x3FAA]  }
0x2d: {  	s3 =	simm.s32 $0x108;
	s8 =	sld [smem:$0x3FAB]  }
0x2e: {  	s3 =	simm.s32 @!p0 $0x1082;
	s9 =	sld [smem:$0x3FAC]  }
0x2f: {  	lr =	sadd.s32 s0, s3;
	s0 =	sld [smem:$0x3FA3]  }
0x30: {  	s3 =	sld [smem:$0x3FA6]  }
0x31: {  	[smem:$0x3FAF] =	sst s10  }
0x32: {  	s10 =	sld [smem:$0x3FAD];
	_ =	sdelay $0x3  }
0x33: {  	p0 =	seq.s32 s10, $0x1;
	s10 =	sld [smem:$0x3FAF];
	_ =	sdelay $0x3  }
0x34: {  	[smem:$0x3FAF] =	sst s10  }
0x35: {  	s10 =	sld [smem:$0x3FAE];
	_ =	sdelay $0x3  }
0x36: {  	p1 =	seq.s32 s10, $0x1;
	s10 =	sld [smem:$0x3FAF];
	_ =	sdelay $0x3  }
0x37: {  	[smem:$0x3FAF] =	sst s10  }
0x38: {  	s10 =	sld [smem:$0x3FB0]  }
0x39: {  	_ = 	snop;
	(pc) =	sbr.ind lr, $3  }
0x3a: {  	_ = 	snop  }
0x3b: {  	_ = 	snop  }
0x3c: {  	p2 =	seq.s32 s10, $0x1;
	s10 =	sld [smem:$0x3FAF]  }
0x3d: {  	_ =	shalt  }
0x3e: {  	_ =	shalt  }
0x3f: {  	_ =	shalt  }
0x40: {  	_ =	shalt  }
0x41: {  	_ =	shalt  }
0x42: {  	_ =	shalt  }
0x43: {  	_ =	shalt  }
0x44: {  	_ =	shalt  }
0x45: {  	_ =	shalt  }
0x46: {  	_ =	shalt  }
0x47: {  	_ =	shalt  }
0x48: {  	_ =	shalt  }
0x49: {  	_ =	shalt  }
0x4a: {  	_ =	shalt  }
0x4b: {  	_ =	shalt  }
0x4c: {  	_ =	shalt  }
0x4d: {  	_ =	shalt  }
0x4e: {  	_ =	shalt  }
0x4f: {  	_ =	shalt  }
0x50: {  	_ =	shalt  }
0x51: {  	_ =	shalt  }
0x52: {  	_ =	shalt  }
0x53: {  	_ =	shalt  }
0x54: {  	_ =	shalt  }
0x55: {  	_ =	shalt  }
0x56: {  	_ =	shalt  }
0x57: {  	_ =	shalt  }
0x58: {  	_ =	shalt  }
0x59: {  	_ =	shalt  }
0x5a: {  	_ =	shalt  }
0x5b: {  	_ =	shalt  }
0x5c: {  	_ =	shalt  }
0x5d: {  	_ =	shalt  }
0x5e: {  	_ =	shalt  }
0x5f: {  	_ =	shalt  }
0x60: {  	_ =	shalt  }
0x61: {  	_ =	shalt  }
0x62: {  	_ =	shalt  }
0x63: {  	_ =	shalt  }
0x64: {  	_ =	shalt  }
0x65: {  	_ =	shalt  }
0x66: {  	_ =	shalt  }
0x67: {  	_ =	shalt  }
0x68: {  	_ =	shalt  }
0x69: {  	_ =	shalt  }
0x6a: {  	_ =	shalt  }
0x6b: {  	_ =	shalt  }
0x6c: {  	_ =	shalt  }
0x6d: {  	_ =	shalt  }
0x6e: {  	_ =	shalt  }
0x6f: {  	_ =	shalt  }
0x70: {  	_ =	shalt  }
0x71: {  	_ =	shalt  }
0x72: {  	_ =	shalt  }
0x73: {  	_ =	shalt  }
0x74: {  	_ =	shalt  }
0x75: {  	_ =	shalt  }
0x76: {  	_ =	shalt  }
0x77: {  	_ =	shalt  }
0x78: {  	_ =	shalt  }
0x79: {  	_ =	shalt  }
0x7a: {  	_ =	shalt  }
0x7b: {  	_ =	shalt  }
0x7c: {  	_ =	shalt  }
0x7d: {  	_ =	shalt  }
0x7e: {  	_ =	shalt  }
0x7f: {  	_ =	shalt  }
0x80: {  	_ =	shalt  }
0x81: {  	_ =	shalt  }
0x82: {  	_ =	shalt  }
0x83: {  	_ =	shalt  }
0x84: {  	_ =	shalt  }
0x85: {  	_ =	shalt  }
0x86: {  	_ =	shalt  }
0x87: {  	_ =	shalt  }
.Lfunc_end0:
.L_simem_size_0:
called_computation.2_lowered:
.L_overlay_start_0:
0x88: {  	s2 =	sld [smem:$0x3FD9]  }
0x89: {  	s3 =	sld [smem:$0x3FFE];
	_ =	sdelay $0x1  }
0x8a: {  	s1 =	srdreg.scid  }
0x8b: {  	s0 =	sand.u32 $0x1, s1  }
0x8c: {  	s17 =	sshll.u32 s0, $0xA;
	s2 =	sadd.s32 s3, s2  }
0x8d: {  	s2 =	sadd.s32 s2, s17  }
0x8e: {  	[smem:$0x3FBB] =	sst s2  }
0x8f: {  	_ = 	snop  }
0x90: {  	s18 =	sld [smem:$0x3FC7];
	(tm) =	ssettm $0x1  }
0x91: {  	s19 =	sld [smem:$0x3FFB];
	_ =	sdelay $0x3  }
0x92: {  	_ =	strace s19  }
0x93: {  	s2 =	sld [smem:$0x3FFC];
	_ =	sdelay $0x3  }
0x94: {  	_ =	strace s2  }
0x95: {  	s2 =	sld [smem:$0x3FFD];
	_ =	sdelay $0x3  }
0x96: {  	_ =	strace s2  }
0x97: {  	_ =	strace $0x8FFFFFFF  }
0x98: {  	s20 =	sld [smem:$0x3FDB];
	_ =	sdelay $0x1  }
0x99: {  	s4 =	simm.s32 $_scs_section_size  }
0x9a: {  	s5 =	simm.s32 $_size__tile_overlayer_lowered;
	s6 =	simm.s32 $_tile_overlayer_lowered  }
0x9b: {  	s7 =	simm.s32 $0x1BFF;
	s21 =	sshll.u32 s6, $0x1;
	s4 =	sadd.s32 s4, s20  }
0x9c: {  	s22 =	simm.s32 $0x0;
	s5 =	sshll.u32 s5, $0x1;
	s6 =	sadd.s32 s21, s4  }
0x9d: {  	[timem:s22], [sflag:s7] =	dma.local [hbm:s6], s5  }
0x9e: {  	_ =	swait.ge [sflag:s7], s5  }
0x9f: {  	s5 =	ssub.s32 $0x0, s5;
	[sflag:s7] =	ssyncset.done $0x0  }
0xa0: {  	[sflag:s7] =	ssyncadd.s32 s5;
	_ =	sdelay $0x1  }
0xa1: {  	s23 =	simm.s32 $0x1B8B  }
0xa2: {  	_ =	swait.ge [sflag:s23], $0x1  }
0xa3: {  	[sflag:s23] =	ssyncset.done $0x0  }
0xa4: {  	[sflag:s23] =	ssyncadd.s32 $0xFFFFFFFF  }
0xa5: {  	s5 =	sld [smem:$0x0]  }
0xa6: {  	s6 =	sand.u32 $0xFFFFFFFE, s1  }
0xa7: {  	p0 =	sne.s32 s1, s6  }
0xa8: {  	s6 =	sshll.u32 @p0 s6, $0xE  }
0xa9: {  	s6 =	sadd.s32 @p0 $0x11B8D, s6;
	s7 =	sshll.u32 @p0 s5, $0x11  }
0xaa: {  	s6 =	sor.u32 @p0 s7, s6  }
0xab: {  	[sflag:s6] =	ssyncadd.remote.s32 @p0 $0x1;
	_ =	sdelay $0x1  }
0xac: {  	s6 =	simm.s32 @p0 $0x1B8D  }
0xad: {  	_ =	swait.eq @p0 [sflag:s6], $0x1  }
0xae: {  	[sflag:s6] =	ssyncadd.s32 @p0 $0xFFFFFFFF  }
0xaf: {  	s7 =	sshll.u32 @!p0 s1, $0xE  }
0xb0: {  	s7 =	sor.u32 @!p0 $0x4000, s7;
	s6 =	simm.s32 @!p0 $0x1B8D  }
0xb1: {  	s5 =	sshll.u32 @!p0 s5, $0x11;
	s7 =	sadd.s32 @!p0 $0x11B8D, s7;
	_ =	swait.eq @!p0 [sflag:s6], $0x1  }
0xb2: {  	s5 =	sor.u32 @!p0 s5, s7;
	[sflag:s6] =	ssyncadd.s32 @!p0 $0xFFFFFFFF  }
0xb3: {  	s25 =	simm.s32 $0x1B8E;
	s24 =	sld [smem:$0x3FFE];
	[sflag:s5] =	ssyncadd.remote.s32 @!p0 $0x1  }
0xb4: {  	s26 =	simm.s32 $execute0_lowered;
	[smem:$0x3FD2] =	sst s25  }
0xb5: {  	s6 =	sshll.u32 s26, $0x1;
	_ =	strace $0x8000004C;
	[dreg:$0x1] =	wrdreg $0xFFFFFFFF  }
0xb6: {  	s28 =	simm.s32 $_size_execute0_lowered;
	s4 =	sadd.s32 s4, s6;
	[dreg:$0x0] =	wrdreg $0x0  }
0xb7: {  	s6 =	sshll.u32 s28, $0x1;
	[dreg:$0x2] =	wrdreg s4  }
0xb8: {  	[dreg:$0x3] =	wrdreg s6  }
0xb9: {  	[dreg:$0x4] =	wrdreg $0xC0  }
0xba: {  	_ =	task [dreg:s22], $0x5FFFF  }
0xbb: {  	[dreg:$0x1] =	wrdreg $0xFFFFFFFF  }
0xbc: {  	[dreg:$0x0] =	wrdreg $0x60  }
0xbd: {  	[dreg:$0x2] =	wrdreg s18  }
0xbe: {  	[dreg:$0x3] =	wrdreg s24  }
0xbf: {  	[dreg:$0x4] =	wrdreg $0xB  }
0xc0: {  	_ =	task.clear_ibuf [dreg:s22], $0x5FFFF;
	_ =	strace $0x9000004C  }
0xc1: {  	s29 =	simm.s32 $0xB;
	_ =	strace $0x8000004E  }
0xc2: {  	_ =	swait.ge [sflag:s29], $0x1  }
0xc3: {  	[sflag:s29] =	ssyncadd.s32 $0xFFFFFFFF  }
0xc4: {  	_ =	strace $0x9000004E  }
0xc5: {  	_ =	sfence  }
0xc6: {  	s30 =	sld [smem:$0x0];
	_ =	sdelay $0x2  }
0xc7: {  	s31 =	sshll.u32 s1, $0xD;
	s1 =	sshrl.u32 s1, $0x2  }
0xc8: {  	s4 =	sand.u32 $0x4000, s31;
	s1 =	sadd.s32 s1, s30  }
0xc9: {  	s0 =	sor.u32 s4, s0;
	s1 =	sshll.u32 s1, $0x11  }
0xca: {  	s0 =	sor.u32 s1, s0  }
0xcb: {  	s0 =	sadd.s32 $0x8F2B, s0  }
0xcc: {  	[sflag:s0] =	ssyncadd.remote.s32 $0x1  }
0xcd: {  	_ =	sfence.sel $0xFFFF  }
0xce: {  	[dreg:$0x0] =	wrdreg $0xFFFFFFFF;
	(pc) =	sbr.abs _section_cstart, $3  }
0xcf: {  	[dreg:$0x1] =	wrdreg $0xFFFFFFFF  }
0xd0: {  	_ =	task.clear_ibuf [dreg:s22], $0x2FFFF;
	_ =	strace $0x9FFFFFFF  }
0xd1: {  	(tm) =	ssettm $0x7FFFFFFF  }
tec
execute0_lowered:
.L_overlay_start_1:
0x0: {  	(tag) =	ssettag $0x1  }
0x1: {  	s0 =	stileid.u32;
	s2 =	rddreg [dreg:$0x0]  }
0x2: {  	s1 =	srdreg.scid;
	s9 =	rddreg [dreg:$0x1]  }
0x3: {  	s4 =	simm.s32 $0x1;
	s6 =	simm.s32 $0x2;
	s11 =	simm.s32 $0x1  }
0x4: {  	s31 =	simm.s32 $0x3;
	s1 =	sand.u32 $0x1, s1;
	s3 =	sshll.u32 s0, $0x1  }
0x5: {  	s13 =	simm.s32 $0x0;
	s12 =	simm.s32 $0x0;
	s7 =	sor.u32 s3, s1  }
0x6: {  	s1 =	rddreg [dreg:$0x2];
	_ =	strace $0x8000004D;
	s3 =	smul.u32 $0xD00, s7  }
0x7: {  	[sflag:s4] =	ssyncpa.u1 $0x0;
	p0 =	seq.s32 s7, $0x0;
	s7 =	simm.s32 $0x1A000  }
0x8: {  	s7 =	simm.s32 @!p0 $0x0;
	s11 =	simm.s32 @!p0 $0x0;
	[sflag:s6] =	ssyncpa.u1 $0x0  }
.Ltmp0:
0x9: {  	s5 =	sshrl.u32 s3, $0x3;
	s10 =	ssub.s32 $0x1A000, s3;
	(pc) =	sbr.rel .LBB2_1-.Ltmp0, $4  }
0xa: {  	[sflag:s31] =	ssyncpa.u1 $0x0;
	p0 =	sne.s32 s10, s7;
	s7 =	simm.s32 $0x1  }
0xb: {  	s8 =	sadd.s32 s5, s9;
	s5 =	sadd.s32 $0x7B400, s9;
	s7 =	simm.s32 @!p0 $0x0  }
0xc: {  	s9 =	sadd.s32 $0x95400, s9;
	s8 =	sadd.s32 $0x7400, s8;
	s7 =	sadd.s32 s11, s7  }
0xd: {  	vm0 =	vmmov $0xffff;
	p0 =	por $0x0, $0x0;
	s11 =	simm.s32 $0x0;
	s10 =	sadd.s32 $0x1, s7  }
.LBB2_4:
0xe: {  	_ =	sdelay $0x2  }
0xf: {  	(ifvalue) =	ssetifvalue $0x7FFFFFFF  }
0x10: {  	[tilespmem:s20], [sflag:$0x1] =	stream.indirect_vreg.gather [hbm4b:s2+s11], $0x1, v0, vm0, $0x4038;
	[tilespmem:$0x1BA00] =	vst v63  }
0x11: {  	_ =	swait.ge [sflag:s4], $0xD000  }
0x12: {  	[sflag:s4] =	ssyncset.done $0x0  }
0x13: {  	s16 =	sadd.s32 s5, s13;
	[sflag:s4] =	ssyncadd.s32 $0xFFFF3000  }
0x14: {  	[hbm:s16] =	stream.linear.scatter [tilespmem:s15], [sflag:$0x3], $0x6800, $0x38;
	[tilespmem:$0x1BA00] =	vst v63  }
0x15: {  	s14 =	sadd.s32 $0x8200, s14;
	s31 =	sadd.s32 s13, s9  }
0x16: {  	[hbm:s31] =	stream.linear.scatter [tilespmem:s14], [sflag:$0x3], $0x6800, $0x38;
	[tilespmem:$0x1BA00] =	vst v63  }
.LBB2_5:
0x17: {  	p2 =	sne.s32 s12, s10  }
.Ltmp1:
0x18: {  	p1 =	slt.u32 s12, $0x2;
	(pc) =	sbr.rel @!p2 .LBB2_6-.Ltmp1, $4  }
0x19: {  	s13 =	simm.s32 @!p1 $0x3  }
0x1a: {  	_ =	swait.ge @!p1 [sflag:s13], $0xD000  }
0x1b: {  	s14 =	sadd.s32 $0x1, s12;
	p0 =	por !p0, !p0;
	[sflag:s13] =	ssyncset.done @!p1 $0x0  }
0x1c: {  	s12 =	smov.u32 s14;
	[sflag:s13] =	ssyncadd.s32 @!p1 $0xFFFF3000;
	s13 =	smov.u32 s3  }
.LBB2_1:
0x1d: {  	p1 =	sge.u32 s12, s7  }
0x1e: {  	s14 =	sxor.u32 @!p1 $0x1, s12  }
0x1f: {  	s14 =	smul.u32 @!p1 $0x3400, s14;
	_ =	sdelay $0x1  }
0x20: {  	s31 =	sadd.s32 $0xFFFFFFFF, s12;
	s15 =	simm.s32 @!p1 $0x0;
	s14 =	sshra.s32 @!p1 s14, $0x2  }
0x21: {  	[tilespmem:s14], [sflag:$0x2] =	stream.linear.gather @!p1 [hbm4b:s8+s15], $0xD00, $0x38;
	[tilespmem:$0x1BA00] =	vst v63  }
0x22: {  	p1 =	sge.u32 s31, s7  }
.Ltmp2:
0x23: {  	_ = 	snop;
	(pc) =	sbr.rel @p1 .LBB2_5-.Ltmp2, $1  }
0x24: {  	_ =	sdelay $0x3  }
0x25: {  	s14 =	simm.s32 $0x1  }
0x26: {  	s14 =	simm.s32 @!p0 $0x0  }
0x27: {  	_ =	swait.ge [sflag:s6], $0xD00;
	s14 =	smul.u32 $0x3400, s14  }
0x28: {  	[sflag:s6] =	ssyncset.done $0x0  }
0x29: {  	[sflag:s6] =	ssyncadd.s32 $0xFFFFF300;
	s18 =	sshrl.u32 s14, $0x2  }
0x2a: {  	v0 =	vld.msk [tilespmem:s18+$0x0 ss:$0x1], $0xffff;
	_ =	sdelay $0x4  }
0x2b: {  	v1 =	vshrl.u32 v0, $0x5  }
0x2c: {  	v2 =	vand.u32 $0x1F, v0;
	vm1 =	veq.s32 v0, $0x80000000;
	v0 =	vand.u32 $0x1FFFF, v1  }
0x2d: {  	v1 =	vmul.u32 $0x187000, v2;
	v0 =	vsel vm1, $0xFFFFFFFF, v0  }
0x2e: {  	v2 =	vshll.u32 v0, $0x3  }
0x2f: {  	s30 =	sand.u32 $0x1, s12;
	v1 =	vsel vm1, $0xFFE79000, v1;
	v2 =	vand.u32 $0xFFFFFC00, v2  }
0x30: {  	s14 =	smul.u32 $0x34000, s30;
	v0 =	vand.u32 $0x7F, v0;
	v1 =	vadd.s32 v1, v2  }
0x31: {  	v0 =	vor.u32 v0, v1  }
0x32: {  	s16 =	simm.s32 $0x0;
	s14 =	sshrl.u32 s14, $0x2  }
0x33: {  	s17 =	sand.u32 $0x7C00, s16;
	s15 =	sadd.s32 $0x1A00, s14  }
0x34: {  	s19 =	sand.u32 $0x70, s16;
	(ifvalue) =	ssetifvalue $0x7FFFFFFF;
	s17 =	sadd.s32 s17, s15;
	v1 =	vor.u32 $0x80, v0  }
0x35: {  	(ifvalue) =	ssetifvalue $0x7FFFFFFF;
	s19 =	sadd.s32 s19, s17  }
0x36: {  	[tilespmem:s19], [sflag:$0x1] =	stream.indirect_vreg.gather [hbm4b:s2+s11], $0x1, v0, vm0, $0x4038;
	[tilespmem:$0x1BA00] =	vst v63  }
0x37: {  	v2 =	vor.u32 $0x100, v0;
	(ifvalue) =	ssetifvalue $0x7FFFFFFF  }
0x38: {  	s17 =	sadd.s32 $0x80, s19;
	(ifvalue) =	ssetifvalue $0x7FFFFFFF  }
0x39: {  	[tilespmem:s17], [sflag:$0x1] =	stream.indirect_vreg.gather [hbm4b:s2+s11], $0x1, v1, vm0, $0x4038;
	[tilespmem:$0x1BA00] =	vst v63  }
0x3a: {  	v1 =	vor.u32 $0x180, v0;
	(ifvalue) =	ssetifvalue $0x7FFFFFFF  }
0x3b: {  	s31 =	sadd.s32 $0x100, s19;
	(ifvalue) =	ssetifvalue $0x7FFFFFFF  }
0x3c: {  	[tilespmem:s31], [sflag:$0x1] =	stream.indirect_vreg.gather [hbm4b:s2+s11], $0x1, v2, vm0, $0x4038;
	[tilespmem:$0x1BA00] =	vst v63  }
0x3d: {  	v2 =	vor.u32 $0x200, v0;
	(ifvalue) =	ssetifvalue $0x7FFFFFFF  }
0x3e: {  	s20 =	sadd.s32 $0x180, s19;
	(ifvalue) =	ssetifvalue $0x7FFFFFFF  }
0x3f: {  	[tilespmem:s20], [sflag:$0x1] =	stream.indirect_vreg.gather [hbm4b:s2+s11], $0x1, v1, vm0, $0x4038;
	[tilespmem:$0x1BA00] =	vst v63  }
0x40: {  	(ifvalue) =	ssetifvalue $0x7FFFFFFF;
	v1 =	vor.u32 $0x280, v0  }
0x41: {  	s21 =	sadd.s32 $0x200, s19;
	(ifvalue) =	ssetifvalue $0x7FFFFFFF  }
0x42: {  	[tilespmem:s21], [sflag:$0x1] =	stream.indirect_vreg.gather [hbm4b:s2+s11], $0x1, v2, vm0, $0x4038;
	[tilespmem:$0x1BA00] =	vst v63  }
0x43: {  	(ifvalue) =	ssetifvalue $0x7FFFFFFF;
	v2 =	vor.u32 $0x300, v0  }
0x44: {  	s23 =	sand.u32 $0x7, s16;
	s22 =	sadd.s32 $0x280, s19;
	(ifvalue) =	ssetifvalue $0x7FFFFFFF  }
0x45: {  	[tilespmem:s22], [sflag:$0x1] =	stream.indirect_vreg.gather [hbm4b:s2+s11], $0x1, v1, vm0, $0x4038;
	[tilespmem:$0x1BA00] =	vst v63  }
0x46: {  	s17 =	sshll.u32 s23, $0x4;
	(ifvalue) =	ssetifvalue $0x7FFFFFFF;
	v1 =	vor.u32 $0x380, v0  }
0x47: {  	s17 =	sadd.s32 $0x0, s17;
	s20 =	sadd.s32 $0x300, s19;
	(ifvalue) =	ssetifvalue $0x7FFFFFFF  }
0x48: {  	[tilespmem:s20], [sflag:$0x1] =	stream.indirect_vreg.gather [hbm4b:s2+s11], $0x1, v2, vm0, $0x4038;
	[tilespmem:$0x1BA00] =	vst v63  }
0x49: {  	s17 =	sor.u32 $0x380, s17;
	(ifvalue) =	ssetifvalue $0x7FFFFFFF;
	v2 =	vadd.s32 $0xC3800, v0  }
0x4a: {  	s17 =	sadd.s32 s17, s15;
	(ifvalue) =	ssetifvalue $0x7FFFFFFF  }
0x4b: {  	[tilespmem:s17], [sflag:$0x1] =	stream.indirect_vreg.gather [hbm4b:s2+s11], $0x1, v1, vm0, $0x4038;
	[tilespmem:$0x1BA00] =	vst v63  }
0x4c: {  	v1 =	vadd.s32 $0xC3880, v0;
	(ifvalue) =	ssetifvalue $0x7FFFFFFF  }
0x4d: {  	s24 =	sadd.s32 $0x6800, s19;
	(ifvalue) =	ssetifvalue $0x7FFFFFFF  }
0x4e: {  	[tilespmem:s24], [sflag:$0x1] =	stream.indirect_vreg.gather [hbm4b:s2+s11], $0x1, v2, vm0, $0x4038;
	[tilespmem:$0x1BA00] =	vst v63  }
0x4f: {  	v2 =	vadd.s32 $0xC3900, v0;
	(ifvalue) =	ssetifvalue $0x7FFFFFFF  }
0x50: {  	s25 =	sadd.s32 $0x6880, s19;
	(ifvalue) =	ssetifvalue $0x7FFFFFFF  }
0x51: {  	[tilespmem:s25], [sflag:$0x1] =	stream.indirect_vreg.gather [hbm4b:s2+s11], $0x1, v1, vm0, $0x4038;
	[tilespmem:$0x1BA00] =	vst v63  }
0x52: {  	v1 =	vadd.s32 $0xC3980, v0;
	(ifvalue) =	ssetifvalue $0x7FFFFFFF  }
0x53: {  	s26 =	sadd.s32 $0x6900, s19;
	(ifvalue) =	ssetifvalue $0x7FFFFFFF  }
0x54: {  	[tilespmem:s26], [sflag:$0x1] =	stream.indirect_vreg.gather [hbm4b:s2+s11], $0x1, v2, vm0, $0x4038;
	[tilespmem:$0x1BA00] =	vst v63  }
0x55: {  	v2 =	vadd.s32 $0xC3A00, v0;
	(ifvalue) =	ssetifvalue $0x7FFFFFFF  }
0x56: {  	s28 =	sadd.s32 $0x6980, s19;
	(ifvalue) =	ssetifvalue $0x7FFFFFFF  }
0x57: {  	[tilespmem:s28], [sflag:$0x1] =	stream.indirect_vreg.gather [hbm4b:s2+s11], $0x1, v1, vm0, $0x4038;
	[tilespmem:$0x1BA00] =	vst v63  }
0x58: {  	v1 =	vadd.s32 $0xC3A80, v0;
	(ifvalue) =	ssetifvalue $0x7FFFFFFF  }
0x59: {  	s29 =	sadd.s32 $0x6A00, s19;
	(ifvalue) =	ssetifvalue $0x7FFFFFFF  }
0x5a: {  	[tilespmem:s29], [sflag:$0x1] =	stream.indirect_vreg.gather [hbm4b:s2+s11], $0x1, v2, vm0, $0x4038;
	[tilespmem:$0x1BA00] =	vst v63  }
0x5b: {  	v2 =	vadd.s32 $0xC3B00, v0;
	(ifvalue) =	ssetifvalue $0x7FFFFFFF  }
0x5c: {  	s30 =	sadd.s32 $0x6A80, s19;
	(ifvalue) =	ssetifvalue $0x7FFFFFFF  }
0x5d: {  	[tilespmem:s30], [sflag:$0x1] =	stream.indirect_vreg.gather [hbm4b:s2+s11], $0x1, v1, vm0, $0x4038;
	[tilespmem:$0x1BA00] =	vst v63  }
0x5e: {  	s18 =	sadd.s32 $0x10, s18;
	v0 =	vadd.s32 $0xC3B80, v0;
	(ifvalue) =	ssetifvalue $0x7FFFFFFF  }
0x5f: {  	s31 =	sadd.s32 $0x6B00, s19;
	s20 =	sadd.s32 $0x6B80, s19;
	(ifvalue) =	ssetifvalue $0x7FFFFFFF  }
0x60: {  	[tilespmem:s31], [sflag:$0x1] =	stream.indirect_vreg.gather [hbm4b:s2+s11], $0x1, v2, vm0, $0x4038;
	[tilespmem:$0x1BA00] =	vst v63  }
0x61: {  	s19 =	simm.s32 $0x0;
	s17 =	simm.s32 $0x10;
	(ifvalue) =	ssetifvalue $0x7FFFFFFF  }
.LBB2_3:
0x62: {  	(ifvalue) =	ssetifvalue $0x7FFFFFFF;
	s16 =	sadd.s32 $0x80, s16;
	s19 =	sadd.s32 $0x1, s19  }
0x63: {  	[tilespmem:s20], [sflag:$0x1] =	stream.indirect_vreg.gather [hbm4b:s2+s11], $0x1, v0, vm0, $0x4038;
	[tilespmem:$0x1BA00] =	vst v63  }
0x64: {  	p1 =	sne.s32 s17, $0xCF0;
	s20 =	smov.u32 s17;
	s17 =	sadd.s32 $0x10, s17;
	v0 =	vld.msk [tilespmem:s18+$0x0 ss:$0x1], $0xffff  }
0x65: {  	(ifvalue) =	ssetifvalue $0x7FFFFFFF;
	_ =	sdelay $0x4  }
0x66: {  	v1 =	vand.u32 $0x1F, v0;
	v2 =	vshrl.u32 v0, $0x5  }
0x67: {  	vm1 =	veq.s32 v0, $0x80000000;
	v0 =	vand.u32 $0x1FFFF, v2;
	v1 =	vmul.u32 $0x187000, v1  }
0x68: {  	v0 =	vsel vm1, $0xFFFFFFFF, v0  }
0x69: {  	v1 =	vsel vm1, $0xFFE79000, v1;
	v2 =	vshll.u32 v0, $0x3  }
0x6a: {  	v2 =	vand.u32 $0xFFFFFC00, v2  }
0x6b: {  	v0 =	vand.u32 $0x7F, v0;
	v1 =	vadd.s32 v1, v2  }
0x6c: {  	v0 =	vor.u32 v0, v1;
	_ =	sdelay $0x1  }
0x6d: {  	s21 =	sand.u32 $0x7C00, s16  }
0x6e: {  	s20 =	sand.u32 $0x70, s20;
	s21 =	sadd.s32 s21, s15;
	v1 =	vor.u32 $0x80, v0  }
0x6f: {  	s20 =	sadd.s32 s20, s21;
	(ifvalue) =	ssetifvalue $0x7FFFFFFF  }
0x70: {  	[tilespmem:s20], [sflag:$0x1] =	stream.indirect_vreg.gather [hbm4b:s2+s11], $0x1, v0, vm0, $0x4038;
	[tilespmem:$0x1BA00] =	vst v63  }
0x71: {  	v2 =	vor.u32 $0x100, v0;
	(ifvalue) =	ssetifvalue $0x7FFFFFFF  }
0x72: {  	s21 =	sadd.s32 $0x80, s20;
	(ifvalue) =	ssetifvalue $0x7FFFFFFF  }
0x73: {  	[tilespmem:s21], [sflag:$0x1] =	stream.indirect_vreg.gather [hbm4b:s2+s11], $0x1, v1, vm0, $0x4038;
	[tilespmem:$0x1BA00] =	vst v63  }
0x74: {  	v1 =	vor.u32 $0x180, v0;
	(ifvalue) =	ssetifvalue $0x7FFFFFFF  }
0x75: {  	s21 =	sadd.s32 $0x100, s20;
	(ifvalue) =	ssetifvalue $0x7FFFFFFF  }
0x76: {  	[tilespmem:s21], [sflag:$0x1] =	stream.indirect_vreg.gather [hbm4b:s2+s11], $0x1, v2, vm0, $0x4038;
	[tilespmem:$0x1BA00] =	vst v63  }
0x77: {  	v2 =	vor.u32 $0x200, v0;
	(ifvalue) =	ssetifvalue $0x7FFFFFFF  }
0x78: {  	s21 =	sadd.s32 $0x180, s20;
	(ifvalue) =	ssetifvalue $0x7FFFFFFF  }
0x79: {  	[tilespmem:s21], [sflag:$0x1] =	stream.indirect_vreg.gather [hbm4b:s2+s11], $0x1, v1, vm0, $0x4038;
	[tilespmem:$0x1BA00] =	vst v63  }
0x7a: {  	v1 =	vor.u32 $0x280, v0;
	(ifvalue) =	ssetifvalue $0x7FFFFFFF  }
0x7b: {  	s21 =	sadd.s32 $0x200, s20;
	(ifvalue) =	ssetifvalue $0x7FFFFFFF  }
0x7c: {  	[tilespmem:s21], [sflag:$0x1] =	stream.indirect_vreg.gather [hbm4b:s2+s11], $0x1, v2, vm0, $0x4038;
	[tilespmem:$0x1BA00] =	vst v63  }
0x7d: {  	v2 =	vor.u32 $0x300, v0;
	(ifvalue) =	ssetifvalue $0x7FFFFFFF  }
0x7e: {  	s21 =	sadd.s32 $0x280, s20;
	(ifvalue) =	ssetifvalue $0x7FFFFFFF  }
0x7f: {  	[tilespmem:s21], [sflag:$0x1] =	stream.indirect_vreg.gather [hbm4b:s2+s11], $0x1, v1, vm0, $0x4038;
	[tilespmem:$0x1BA00] =	vst v63  }
0x80: {  	s21 =	sand.u32 $0x7, s19;
	v1 =	vor.u32 $0x380, v0;
	(ifvalue) =	ssetifvalue $0x7FFFFFFF  }
0x81: {  	s22 =	sadd.s32 $0x300, s20;
	s21 =	sshll.u32 s21, $0x4;
	(ifvalue) =	ssetifvalue $0x7FFFFFFF  }
0x82: {  	[tilespmem:s22], [sflag:$0x1] =	stream.indirect_vreg.gather [hbm4b:s2+s11], $0x1, v2, vm0, $0x4038;
	[tilespmem:$0x1BA00] =	vst v63  }
0x83: {  	s21 =	sadd.s32 s21, s16;
	v2 =	vadd.s32 $0xC3800, v0;
	(ifvalue) =	ssetifvalue $0x7FFFFFFF  }
0x84: {  	s21 =	sor.u32 $0x380, s21;
	(ifvalue) =	ssetifvalue $0x7FFFFFFF  }
0x85: {  	s21 =	sadd.s32 s21, s15  }
0x86: {  	[tilespmem:s21], [sflag:$0x1] =	stream.indirect_vreg.gather [hbm4b:s2+s11], $0x1, v1, vm0, $0x4038;
	v1 =	vadd.s32 $0xC3880, v0;
	[tilespmem:$0x1BA00] =	vst v63  }
0x87: {  	s21 =	sadd.s32 $0x6800, s20;
	(ifvalue) =	ssetifvalue $0x7FFFFFFF  }
0x88: {  	(ifvalue) =	ssetifvalue $0x7FFFFFFF  }
0x89: {  	[tilespmem:s21], [sflag:$0x1] =	stream.indirect_vreg.gather [hbm4b:s2+s11], $0x1, v2, vm0, $0x4038;
	v2 =	vadd.s32 $0xC3900, v0;
	[tilespmem:$0x1BA00] =	vst v63  }
0x8a: {  	s21 =	sadd.s32 $0x6880, s20;
	(ifvalue) =	ssetifvalue $0x7FFFFFFF  }
0x8b: {  	(ifvalue) =	ssetifvalue $0x7FFFFFFF  }
0x8c: {  	[tilespmem:s21], [sflag:$0x1] =	stream.indirect_vreg.gather [hbm4b:s2+s11], $0x1, v1, vm0, $0x4038;
	v1 =	vadd.s32 $0xC3980, v0;
	[tilespmem:$0x1BA00] =	vst v63  }
0x8d: {  	s21 =	sadd.s32 $0x6900, s20;
	(ifvalue) =	ssetifvalue $0x7FFFFFFF  }
0x8e: {  	(ifvalue) =	ssetifvalue $0x7FFFFFFF  }
0x8f: {  	[tilespmem:s21], [sflag:$0x1] =	stream.indirect_vreg.gather [hbm4b:s2+s11], $0x1, v2, vm0, $0x4038;
	v2 =	vadd.s32 $0xC3A00, v0;
	[tilespmem:$0x1BA00] =	vst v63  }
0x90: {  	s21 =	sadd.s32 $0x6980, s20;
	(ifvalue) =	ssetifvalue $0x7FFFFFFF  }
0x91: {  	(ifvalue) =	ssetifvalue $0x7FFFFFFF  }
0x92: {  	[tilespmem:s21], [sflag:$0x1] =	stream.indirect_vreg.gather [hbm4b:s2+s11], $0x1, v1, vm0, $0x4038;
	v1 =	vadd.s32 $0xC3A80, v0;
	[tilespmem:$0x1BA00] =	vst v63  }
0x93: {  	s21 =	sadd.s32 $0x6A00, s20;
	(ifvalue) =	ssetifvalue $0x7FFFFFFF  }
0x94: {  	(ifvalue) =	ssetifvalue $0x7FFFFFFF  }
0x95: {  	[tilespmem:s21], [sflag:$0x1] =	stream.indirect_vreg.gather [hbm4b:s2+s11], $0x1, v2, vm0, $0x4038;
	v2 =	vadd.s32 $0xC3B00, v0;
	[tilespmem:$0x1BA00] =	vst v63  }
0x96: {  	s21 =	sadd.s32 $0x6A80, s20;
	(ifvalue) =	ssetifvalue $0x7FFFFFFF  }
0x97: {  	(ifvalue) =	ssetifvalue $0x7FFFFFFF  }
0x98: {  	[tilespmem:s21], [sflag:$0x1] =	stream.indirect_vreg.gather [hbm4b:s2+s11], $0x1, v1, vm0, $0x4038;
	[tilespmem:$0x1BA00] =	vst v63  }
.Ltmp3:
0x99: {  	v0 =	vadd.s32 $0xC3B80, v0;
	(pc) =	sbr.rel @p1 .LBB2_3-.Ltmp3, $4  }
0x9a: {  	s21 =	sadd.s32 $0x6B00, s20;
	(ifvalue) =	ssetifvalue $0x7FFFFFFF  }
0x9b: {  	(ifvalue) =	ssetifvalue $0x7FFFFFFF  }
0x9c: {  	[tilespmem:s21], [sflag:$0x1] =	stream.indirect_vreg.gather [hbm4b:s2+s11], $0x1, v2, vm0, $0x4038;
	[tilespmem:$0x1BA00] =	vst v63  }
0x9d: {  	s18 =	sadd.s32 $0x10, s18;
	s20 =	sadd.s32 $0x6B80, s20;
	(ifvalue) =	ssetifvalue $0x7FFFFFFF  }
.Ltmp4:
0x9e: {  	_ = 	snop;
	(pc) =	sbr.rel .LBB2_4-.Ltmp4, $1  }
0x9f: {  	_ =	sdelay $0x3  }
.LBB2_6:
0xa0: {  	_ =	sfence.sel $0x180000  }
0xa1: {  	s2 =	simm.s32 $0x2;
	[bflag:$0x0] =	sbarrier.arrive $0xFFFF  }
0xa2: {  	s30 =	simm.s32 $0x3;
	[sflag:s2] =	ssyncpa.u1 $0x1  }
0xa3: {  	s31 =	simm.s32 $0x1;
	[sflag:s30] =	ssyncpa.u1 $0x1  }
0xa4: {  	[sflag:s31] =	ssyncpa.u1 $0x1  }
0xa5: {  	p0 =	sne.s32 s0, $0x0;
	_ =	strace $0x9000004D  }
0xa6: {  	s0 =	sadd.s32 @!p0 $0x100000, s1;
	[bflag:$0x2] =	sbarrier.arrive $0xFFFF  }
0xa7: {  	[sflag:s0] =	ssyncadd.tile.s32 @!p0 $0x1;
	_ =	shalt  }
.Lfunc_end2:
_tile_overlayer_lowered:
.L_overlay_start_2:
0xa8: {  	(tag) =	ssettag $0x2  }
0xa9: {  	s0 =	rddreg [dreg:$0x0];
	s2 =	stileid.u32  }
0xaa: {  	s1 =	rddreg [dreg:$0x1];
	p0 =	sne.s32 s2, $0x0  }
0xab: {  	s3 =	rddreg [dreg:$0x2];
	[bflag:$0x3] =	sbarrier.arrive $0xFFFF;
	s2 =	simm.s32 @!p0 $0x1C01  }
0xac: {  	[timem:s3], [sflag:s2] =	dma.local @!p0 [hbm:s0], s1  }
0xad: {  	s0 =	simm.s32 @!p0 $0x1  }
0xae: {  	_ =	swait.ge @!p0 [sflag:s0], s1  }
0xaf: {  	s1 =	ssub.s32 @!p0 $0x0, s1;
	[sflag:s0] =	ssyncset.done @!p0 $0x0  }
0xb0: {  	[sflag:s0] =	ssyncadd.s32 @!p0 s1  }
0xb1: {  	[bflag:$0x3] =	sbarrier.arrive $0xFFFF  }
0xb2: {  	_ =	shalt  }

// kernel: gather_offload_async_start.3
scs
__scs_entry_jumppad:
0x0: {  	(pc) =	sbr.rel $0x88, $3  }
0x1: {  	(tag) =	ssettag $0x0;
	lr =	simm.s32 $0x1  }
0x2: {  	[smem:$0x3F94] =	sst lr;
	_ =	strace $0xD0000000  }
0x3: {  	_ = 	snop  }
0x4: {  	_ = 	snop  }
0x5: {  	_ = 	snop  }
0x6: {  	_ = 	snop  }
0x7: {  	_ = 	snop  }
__scs_overlays_trampoline_lowered:
0x8: {  	[smem:$0x3FA3] =	sst s0  }
0x9: {  	[smem:$0x3FA4] =	sst s1  }
0xa: {  	[smem:$0x3FA5] =	sst s2  }
0xb: {  	[smem:$0x3FA6] =	sst s3  }
0xc: {  	[smem:$0x3FA7] =	sst s4  }
0xd: {  	[smem:$0x3FA8] =	sst s5  }
0xe: {  	[smem:$0x3FA9] =	sst s6  }
0xf: {  	[smem:$0x3FAA] =	sst s7  }
0x10: {  	[smem:$0x3FAB] =	sst s8  }
0x11: {  	[smem:$0x3FAC] =	sst s9;
	s0 =	simm.s32 @!p0 $0x0  }
0x12: {  	s1 =	sld [smem:$0x3F92];
	s0 =	simm.s32 @p0 $0x1  }
0x13: {  	[smem:$0x3FAD] =	sst s0;
	s0 =	simm.s32 @!p1 $0x0  }
0x14: {  	s2 =	sld [smem:$0x3F91];
	s0 =	simm.s32 @p1 $0x1  }
0x15: {  	[smem:$0x3FAE] =	sst s0;
	s0 =	simm.s32 @!p2 $0x0  }
0x16: {  	s3 =	sld [smem:$0x3FDB];
	s0 =	simm.s32 @p2 $0x1  }
0x17: {  	s4 =	simm.s32 $0x1BF5;
	[smem:$0x3FB0] =	sst s0  }
0x18: {  	s0 =	sld [smem:$0x3F93];
	_ =	swait.ge [sflag:s4], $0x0  }
0x19: {  	s7 =	sld [smem:$0x3F94]  }
0x1a: {  	s8 =	sadd.s32 $0xFFFFE003, lr  }
0x1b: {  	s9 =	sadd.s32 $0xFFFFFEF7, lr;
	s5 =	simm.s32 $0xFFFFFFFF;
	p2 =	slt.u32 s8, $0xFFFFF086  }
0x1c: {  	p1 =	slt.u32 s9, $0xF7A;
	s5 =	simm.s32 @!p2 $0x0  }
0x1d: {  	s5 =	simm.s32 @p1 $0x1;
	p0 =	seq.s32 s7, s2  }
0x1e: {  	s7 =	smul.u32 @!p0 $0xF7A, s2;
	p2 =	seq.s32 @!p0 s5, $0x0  }
0x1f: {  	s9 =	smul.u32 $0xF7A, s1;
	s8 =	simm.s32 @!p0 $0x1BF5;
	p2 =	por !p2, p0  }
0x20: {  	[sflag:s8] =	ssyncset.s32 @!p0 $0xFFFFF086;
	s6 =	sadd.s32 @!p0 s3, s7;
	s7 =	simm.s32 @!p0 $0x108  }
0x21: {  	s3 =	sadd.s32 s3, s9;
	s6 =	sadd.s32 @!p0 $0x88, s6;
	s7 =	simm.s32 @p2 $0x1082  }
0x22: {  	[simem:s7], [sflag:s8] =	dma.local @!p0 [hbm:s6], $0xF7A  }
0x23: {  	s9 =	sor.u32 $0xD0000000, s2;
	s6 =	simm.s32 $0x108;
	_ =	swait.ge @!p0 [sflag:s8], $0x0  }
0x24: {  	s3 =	sadd.s32 $0x88, s3;
	s6 =	simm.s32 @!p1 $0x1082;
	[sflag:s4] =	ssyncset.s32 $0xFFFFF086  }
0x25: {  	[simem:s6], [sflag:s4] =	dma.local [hbm:s3], $0xF7A  }
0x26: {  	[smem:$0x3F94] =	sst s1;
	(tag) =	ssettag s2;
	_ =	strace s9  }
0x27: {  	s1 =	sld [smem:$0x3FA4]  }
0x28: {  	s2 =	sld [smem:$0x3FA5]  }
0x29: {  	s4 =	sld [smem:$0x3FA7]  }
0x2a: {  	p0 =	seq.s32 s5, $0x0;
	s5 =	sld [smem:$0x3FA8]  }
0x2b: {  	s6 =	sld [smem:$0x3FA9]  }
0x2c: {  	s7 =	sld [smem:$0x3FAA]  }
0x2d: {  	s3 =	simm.s32 $0x108;
	s8 =	sld [smem:$0x3FAB]  }
0x2e: {  	s3 =	simm.s32 @!p0 $0x1082;
	s9 =	sld [smem:$0x3FAC]  }
0x2f: {  	lr =	sadd.s32 s0, s3;
	s0 =	sld [smem:$0x3FA3]  }
0x30: {  	s3 =	sld [smem:$0x3FA6]  }
0x31: {  	[smem:$0x3FAF] =	sst s10  }
0x32: {  	s10 =	sld [smem:$0x3FAD];
	_ =	sdelay $0x3  }
0x33: {  	p0 =	seq.s32 s10, $0x1;
	s10 =	sld [smem:$0x3FAF];
	_ =	sdelay $0x3  }
0x34: {  	[smem:$0x3FAF] =	sst s10  }
0x35: {  	s10 =	sld [smem:$0x3FAE];
	_ =	sdelay $0x3  }
0x36: {  	p1 =	seq.s32 s10, $0x1;
	s10 =	sld [smem:$0x3FAF];
	_ =	sdelay $0x3  }
0x37: {  	[smem:$0x3FAF] =	sst s10  }
0x38: {  	s10 =	sld [smem:$0x3FB0]  }
0x39: {  	_ = 	snop;
	(pc) =	sbr.ind lr, $3  }
0x3a: {  	_ = 	snop  }
0x3b: {  	_ = 	snop  }
0x3c: {  	p2 =	seq.s32 s10, $0x1;
	s10 =	sld [smem:$0x3FAF]  }
0x3d: {  	_ =	shalt  }
0x3e: {  	_ =	shalt  }
0x3f: {  	_ =	shalt  }
0x40: {  	_ =	shalt  }
0x41: {  	_ =	shalt  }
0x42: {  	_ =	shalt  }
0x43: {  	_ =	shalt  }
0x44: {  	_ =	shalt  }
0x45: {  	_ =	shalt  }
0x46: {  	_ =	shalt  }
0x47: {  	_ =	shalt  }
0x48: {  	_ =	shalt  }
0x49: {  	_ =	shalt  }
0x4a: {  	_ =	shalt  }
0x4b: {  	_ =	shalt  }
0x4c: {  	_ =	shalt  }
0x4d: {  	_ =	shalt  }
0x4e: {  	_ =	shalt  }
0x4f: {  	_ =	shalt  }
0x50: {  	_ =	shalt  }
0x51: {  	_ =	shalt  }
0x52: {  	_ =	shalt  }
0x53: {  	_ =	shalt  }
0x54: {  	_ =	shalt  }
0x55: {  	_ =	shalt  }
0x56: {  	_ =	shalt  }
0x57: {  	_ =	shalt  }
0x58: {  	_ =	shalt  }
0x59: {  	_ =	shalt  }
0x5a: {  	_ =	shalt  }
0x5b: {  	_ =	shalt  }
0x5c: {  	_ =	shalt  }
0x5d: {  	_ =	shalt  }
0x5e: {  	_ =	shalt  }
0x5f: {  	_ =	shalt  }
0x60: {  	_ =	shalt  }
0x61: {  	_ =	shalt  }
0x62: {  	_ =	shalt  }
0x63: {  	_ =	shalt  }
0x64: {  	_ =	shalt  }
0x65: {  	_ =	shalt  }
0x66: {  	_ =	shalt  }
0x67: {  	_ =	shalt  }
0x68: {  	_ =	shalt  }
0x69: {  	_ =	shalt  }
0x6a: {  	_ =	shalt  }
0x6b: {  	_ =	shalt  }
0x6c: {  	_ =	shalt  }
0x6d: {  	_ =	shalt  }
0x6e: {  	_ =	shalt  }
0x6f: {  	_ =	shalt  }
0x70: {  	_ =	shalt  }
0x71: {  	_ =	shalt  }
0x72: {  	_ =	shalt  }
0x73: {  	_ =	shalt  }
0x74: {  	_ =	shalt  }
0x75: {  	_ =	shalt  }
0x76: {  	_ =	shalt  }
0x77: {  	_ =	shalt  }
0x78: {  	_ =	shalt  }
0x79: {  	_ =	shalt  }
0x7a: {  	_ =	shalt  }
0x7b: {  	_ =	shalt  }
0x7c: {  	_ =	shalt  }
0x7d: {  	_ =	shalt  }
0x7e: {  	_ =	shalt  }
0x7f: {  	_ =	shalt  }
0x80: {  	_ =	shalt  }
0x81: {  	_ =	shalt  }
0x82: {  	_ =	shalt  }
0x83: {  	_ =	shalt  }
0x84: {  	_ =	shalt  }
0x85: {  	_ =	shalt  }
0x86: {  	_ =	shalt  }
0x87: {  	_ =	shalt  }
.Lfunc_end0:
.L_simem_size_0:
called_computation.3_lowered:
.L_overlay_start_0:
0x88: {  	s2 =	sld [smem:$0x3FD9]  }
0x89: {  	s3 =	sld [smem:$0x3FFE];
	_ =	sdelay $0x1  }
0x8a: {  	s1 =	srdreg.scid  }
0x8b: {  	s0 =	sand.u32 $0x1, s1  }
0x8c: {  	s17 =	sshll.u32 s0, $0xA;
	s2 =	sadd.s32 s3, s2  }
0x8d: {  	s2 =	sadd.s32 s2, s17  }
0x8e: {  	[smem:$0x3FBB] =	sst s2  }
0x8f: {  	_ = 	snop  }
0x90: {  	s18 =	sld [smem:$0x3FC7];
	(tm) =	ssettm $0x1  }
0x91: {  	s19 =	sld [smem:$0x3FFB];
	_ =	sdelay $0x3  }
0x92: {  	_ =	strace s19  }
0x93: {  	s2 =	sld [smem:$0x3FFC];
	_ =	sdelay $0x3  }
0x94: {  	_ =	strace s2  }
0x95: {  	s2 =	sld [smem:$0x3FFD];
	_ =	sdelay $0x3  }
0x96: {  	_ =	strace s2  }
0x97: {  	_ =	strace $0x8FFFFFFF  }
0x98: {  	s20 =	sld [smem:$0x3FDB];
	_ =	sdelay $0x1  }
0x99: {  	s4 =	simm.s32 $_scs_section_size  }
0x9a: {  	s5 =	simm.s32 $_size__tile_overlayer_lowered;
	s6 =	simm.s32 $_tile_overlayer_lowered  }
0x9b: {  	s7 =	simm.s32 $0x1BFF;
	s21 =	sshll.u32 s6, $0x1;
	s4 =	sadd.s32 s4, s20  }
0x9c: {  	s22 =	simm.s32 $0x0;
	s5 =	sshll.u32 s5, $0x1;
	s6 =	sadd.s32 s21, s4  }
0x9d: {  	[timem:s22], [sflag:s7] =	dma.local [hbm:s6], s5  }
0x9e: {  	_ =	swait.ge [sflag:s7], s5  }
0x9f: {  	s5 =	ssub.s32 $0x0, s5;
	[sflag:s7] =	ssyncset.done $0x0  }
0xa0: {  	[sflag:s7] =	ssyncadd.s32 s5;
	_ =	sdelay $0x1  }
0xa1: {  	s23 =	simm.s32 $0x1B8B  }
0xa2: {  	_ =	swait.ge [sflag:s23], $0x1  }
0xa3: {  	[sflag:s23] =	ssyncset.done $0x0  }
0xa4: {  	[sflag:s23] =	ssyncadd.s32 $0xFFFFFFFF  }
0xa5: {  	s5 =	sld [smem:$0x0]  }
0xa6: {  	s6 =	sand.u32 $0xFFFFFFFE, s1  }
0xa7: {  	p0 =	sne.s32 s1, s6  }
0xa8: {  	s6 =	sshll.u32 @p0 s6, $0xE  }
0xa9: {  	s6 =	sadd.s32 @p0 $0x11B8D, s6;
	s7 =	sshll.u32 @p0 s5, $0x11  }
0xaa: {  	s6 =	sor.u32 @p0 s7, s6  }
0xab: {  	[sflag:s6] =	ssyncadd.remote.s32 @p0 $0x1;
	_ =	sdelay $0x1  }
0xac: {  	s6 =	simm.s32 @p0 $0x1B8D  }
0xad: {  	_ =	swait.eq @p0 [sflag:s6], $0x1  }
0xae: {  	[sflag:s6] =	ssyncadd.s32 @p0 $0xFFFFFFFF  }
0xaf: {  	s7 =	sshll.u32 @!p0 s1, $0xE  }
0xb0: {  	s7 =	sor.u32 @!p0 $0x4000, s7;
	s6 =	simm.s32 @!p0 $0x1B8D  }
0xb1: {  	s5 =	sshll.u32 @!p0 s5, $0x11;
	s7 =	sadd.s32 @!p0 $0x11B8D, s7;
	_ =	swait.eq @!p0 [sflag:s6], $0x1  }
0xb2: {  	s5 =	sor.u32 @!p0 s5, s7;
	[sflag:s6] =	ssyncadd.s32 @!p0 $0xFFFFFFFF  }
0xb3: {  	s25 =	simm.s32 $0x1B8E;
	s24 =	sld [smem:$0x3FFE];
	[sflag:s5] =	ssyncadd.remote.s32 @!p0 $0x1  }
0xb4: {  	s26 =	simm.s32 $execute0_lowered;
	[smem:$0x3FD2] =	sst s25  }
0xb5: {  	s6 =	sshll.u32 s26, $0x1;
	_ =	strace $0x8000004F;
	[dreg:$0x1] =	wrdreg $0xFFFFFFFF  }
0xb6: {  	s28 =	simm.s32 $_size_execute0_lowered;
	s4 =	sadd.s32 s4, s6;
	[dreg:$0x0] =	wrdreg $0x0  }
0xb7: {  	s6 =	sshll.u32 s28, $0x1;
	[dreg:$0x2] =	wrdreg s4  }
0xb8: {  	[dreg:$0x3] =	wrdreg s6  }
0xb9: {  	[dreg:$0x4] =	wrdreg $0xC0  }
0xba: {  	_ =	task [dreg:s22], $0x5FFFF  }
0xbb: {  	[dreg:$0x1] =	wrdreg $0xFFFFFFFF  }
0xbc: {  	[dreg:$0x0] =	wrdreg $0x60  }
0xbd: {  	[dreg:$0x2] =	wrdreg s18  }
0xbe: {  	[dreg:$0x3] =	wrdreg s24  }
0xbf: {  	[dreg:$0x4] =	wrdreg $0xC  }
0xc0: {  	_ =	task.clear_ibuf [dreg:s22], $0x5FFFF;
	_ =	strace $0x9000004F  }
0xc1: {  	s29 =	simm.s32 $0xC;
	_ =	strace $0x80000051  }
0xc2: {  	_ =	swait.ge [sflag:s29], $0x1  }
0xc3: {  	[sflag:s29] =	ssyncadd.s32 $0xFFFFFFFF  }
0xc4: {  	_ =	strace $0x90000051  }
0xc5: {  	_ =	sfence  }
0xc6: {  	s30 =	sld [smem:$0x0];
	_ =	sdelay $0x2  }
0xc7: {  	s31 =	sshll.u32 s1, $0xD;
	s1 =	sshrl.u32 s1, $0x2  }
0xc8: {  	s4 =	sand.u32 $0x4000, s31;
	s1 =	sadd.s32 s1, s30  }
0xc9: {  	s0 =	sor.u32 s4, s0;
	s1 =	sshll.u32 s1, $0x11  }
0xca: {  	s0 =	sor.u32 s1, s0  }
0xcb: {  	s0 =	sadd.s32 $0x8F2B, s0  }
0xcc: {  	[sflag:s0] =	ssyncadd.remote.s32 $0x1  }
0xcd: {  	_ =	sfence.sel $0xFFFF  }
0xce: {  	[dreg:$0x0] =	wrdreg $0xFFFFFFFF;
	(pc) =	sbr.abs _section_cstart, $3  }
0xcf: {  	[dreg:$0x1] =	wrdreg $0xFFFFFFFF  }
0xd0: {  	_ =	task.clear_ibuf [dreg:s22], $0x2FFFF;
	_ =	strace $0x9FFFFFFF  }
0xd1: {  	(tm) =	ssettm $0x7FFFFFFF  }
tec
execute0_lowered:
.L_overlay_start_1:
0x0: {  	(tag) =	ssettag $0x1  }
0x1: {  	s0 =	stileid.u32;
	s2 =	rddreg [dreg:$0x0]  }
0x2: {  	s1 =	srdreg.scid;
	s9 =	rddreg [dreg:$0x1]  }
0x3: {  	s4 =	simm.s32 $0x1;
	s6 =	simm.s32 $0x2;
	s11 =	simm.s32 $0x1  }
0x4: {  	s31 =	simm.s32 $0x3;
	s1 =	sand.u32 $0x1, s1;
	s3 =	sshll.u32 s0, $0x1  }
0x5: {  	s13 =	simm.s32 $0x0;
	s12 =	simm.s32 $0x0;
	s7 =	sor.u32 s3, s1  }
0x6: {  	s1 =	rddreg [dreg:$0x2];
	_ =	strace $0x80000050;
	s3 =	smul.u32 $0xD00, s7  }
0x7: {  	[sflag:s4] =	ssyncpa.u1 $0x0;
	p0 =	seq.s32 s7, $0x0;
	s7 =	simm.s32 $0x1A000  }
0x8: {  	s7 =	simm.s32 @!p0 $0x0;
	s11 =	simm.s32 @!p0 $0x0;
	[sflag:s6] =	ssyncpa.u1 $0x0  }
.Ltmp0:
0x9: {  	s5 =	sshrl.u32 s3, $0x3;
	s10 =	ssub.s32 $0x1A000, s3;
	(pc) =	sbr.rel .LBB2_1-.Ltmp0, $4  }
0xa: {  	[sflag:s31] =	ssyncpa.u1 $0x0;
	p0 =	sne.s32 s10, s7;
	s7 =	simm.s32 $0x1  }
0xb: {  	s8 =	sadd.s32 s5, s9;
	s5 =	sadd.s32 $0xB5C00, s9;
	s7 =	simm.s32 @!p0 $0x0  }
0xc: {  	s9 =	sadd.s32 $0xCFC00, s9;
	s8 =	sadd.s32 $0xA800, s8;
	s7 =	sadd.s32 s11, s7  }
0xd: {  	vm0 =	vmmov $0xffff;
	p0 =	por $0x0, $0x0;
	s11 =	simm.s32 $0x0;
	s10 =	sadd.s32 $0x1, s7  }
.LBB2_4:
0xe: {  	_ =	sdelay $0x2  }
0xf: {  	(ifvalue) =	ssetifvalue $0x7FFFFFFF  }
0x10: {  	[tilespmem:s20], [sflag:$0x1] =	stream.indirect_vreg.gather [hbm4b:s2+s11], $0x1, v0, vm0, $0x4038;
	[tilespmem:$0x1BA00] =	vst v63  }
0x11: {  	_ =	swait.ge [sflag:s4], $0xD000  }
0x12: {  	[sflag:s4] =	ssyncset.done $0x0  }
0x13: {  	s16 =	sadd.s32 s5, s13;
	[sflag:s4] =	ssyncadd.s32 $0xFFFF3000  }
0x14: {  	[hbm:s16] =	stream.linear.scatter [tilespmem:s15], [sflag:$0x3], $0x6800, $0x38;
	[tilespmem:$0x1BA00] =	vst v63  }
0x15: {  	s14 =	sadd.s32 $0x8200, s14;
	s31 =	sadd.s32 s13, s9  }
0x16: {  	[hbm:s31] =	stream.linear.scatter [tilespmem:s14], [sflag:$0x3], $0x6800, $0x38;
	[tilespmem:$0x1BA00] =	vst v63  }
.LBB2_5:
0x17: {  	p2 =	sne.s32 s12, s10  }
.Ltmp1:
0x18: {  	p1 =	slt.u32 s12, $0x2;
	(pc) =	sbr.rel @!p2 .LBB2_6-.Ltmp1, $4  }
0x19: {  	s13 =	simm.s32 @!p1 $0x3  }
0x1a: {  	_ =	swait.ge @!p1 [sflag:s13], $0xD000  }
0x1b: {  	s14 =	sadd.s32 $0x1, s12;
	p0 =	por !p0, !p0;
	[sflag:s13] =	ssyncset.done @!p1 $0x0  }
0x1c: {  	s12 =	smov.u32 s14;
	[sflag:s13] =	ssyncadd.s32 @!p1 $0xFFFF3000;
	s13 =	smov.u32 s3  }
.LBB2_1:
0x1d: {  	p1 =	sge.u32 s12, s7  }
0x1e: {  	s14 =	sxor.u32 @!p1 $0x1, s12  }
0x1f: {  	s14 =	smul.u32 @!p1 $0x3400, s14;
	_ =	sdelay $0x1  }
0x20: {  	s31 =	sadd.s32 $0xFFFFFFFF, s12;
	s15 =	simm.s32 @!p1 $0x0;
	s14 =	sshra.s32 @!p1 s14, $0x2  }
0x21: {  	[tilespmem:s14], [sflag:$0x2] =	stream.linear.gather @!p1 [hbm4b:s8+s15], $0xD00, $0x38;
	[tilespmem:$0x1BA00] =	vst v63  }
0x22: {  	p1 =	sge.u32 s31, s7  }
.Ltmp2:
0x23: {  	_ = 	snop;
	(pc) =	sbr.rel @p1 .LBB2_5-.Ltmp2, $1  }
0x24: {  	_ =	sdelay $0x3  }
0x25: {  	s14 =	simm.s32 $0x1  }
0x26: {  	s14 =	simm.s32 @!p0 $0x0  }
0x27: {  	_ =	swait.ge [sflag:s6], $0xD00;
	s14 =	smul.u32 $0x3400, s14  }
0x28: {  	[sflag:s6] =	ssyncset.done $0x0  }
0x29: {  	[sflag:s6] =	ssyncadd.s32 $0xFFFFF300;
	s18 =	sshrl.u32 s14, $0x2  }
0x2a: {  	v0 =	vld.msk [tilespmem:s18+$0x0 ss:$0x1], $0xffff;
	_ =	sdelay $0x4  }
0x2b: {  	v1 =	vshrl.u32 v0, $0x5  }
0x2c: {  	v2 =	vand.u32 $0x1F, v0;
	vm1 =	veq.s32 v0, $0x80000000;
	v0 =	vand.u32 $0x1FFFF, v1  }
0x2d: {  	v1 =	vmul.u32 $0x187000, v2;
	v0 =	vsel vm1, $0xFFFFFFFF, v0  }
0x2e: {  	v2 =	vshll.u32 v0, $0x3  }
0x2f: {  	s30 =	sand.u32 $0x1, s12;
	v1 =	vsel vm1, $0xFFE79000, v1;
	v2 =	vand.u32 $0xFFFFFC00, v2  }
0x30: {  	s14 =	smul.u32 $0x34000, s30;
	v0 =	vand.u32 $0x7F, v0;
	v1 =	vadd.s32 v1, v2  }
0x31: {  	v0 =	vor.u32 v0, v1  }
0x32: {  	s16 =	simm.s32 $0x0;
	s14 =	sshrl.u32 s14, $0x2  }
0x33: {  	s17 =	sand.u32 $0x7C00, s16;
	s15 =	sadd.s32 $0x1A00, s14  }
0x34: {  	s19 =	sand.u32 $0x70, s16;
	(ifvalue) =	ssetifvalue $0x7FFFFFFF;
	s17 =	sadd.s32 s17, s15;
	v1 =	vor.u32 $0x80, v0  }
0x35: {  	(ifvalue) =	ssetifvalue $0x7FFFFFFF;
	s19 =	sadd.s32 s19, s17  }
0x36: {  	[tilespmem:s19], [sflag:$0x1] =	stream.indirect_vreg.gather [hbm4b:s2+s11], $0x1, v0, vm0, $0x4038;
	[tilespmem:$0x1BA00] =	vst v63  }
0x37: {  	v2 =	vor.u32 $0x100, v0;
	(ifvalue) =	ssetifvalue $0x7FFFFFFF  }
0x38: {  	s17 =	sadd.s32 $0x80, s19;
	(ifvalue) =	ssetifvalue $0x7FFFFFFF  }
0x39: {  	[tilespmem:s17], [sflag:$0x1] =	stream.indirect_vreg.gather [hbm4b:s2+s11], $0x1, v1, vm0, $0x4038;
	[tilespmem:$0x1BA00] =	vst v63  }
0x3a: {  	v1 =	vor.u32 $0x180, v0;
	(ifvalue) =	ssetifvalue $0x7FFFFFFF  }
0x3b: {  	s31 =	sadd.s32 $0x100, s19;
	(ifvalue) =	ssetifvalue $0x7FFFFFFF  }
0x3c: {  	[tilespmem:s31], [sflag:$0x1] =	stream.indirect_vreg.gather [hbm4b:s2+s11], $0x1, v2, vm0, $0x4038;
	[tilespmem:$0x1BA00] =	vst v63  }
0x3d: {  	v2 =	vor.u32 $0x200, v0;
	(ifvalue) =	ssetifvalue $0x7FFFFFFF  }
0x3e: {  	s20 =	sadd.s32 $0x180, s19;
	(ifvalue) =	ssetifvalue $0x7FFFFFFF  }
0x3f: {  	[tilespmem:s20], [sflag:$0x1] =	stream.indirect_vreg.gather [hbm4b:s2+s11], $0x1, v1, vm0, $0x4038;
	[tilespmem:$0x1BA00] =	vst v63  }
0x40: {  	(ifvalue) =	ssetifvalue $0x7FFFFFFF;
	v1 =	vor.u32 $0x280, v0  }
0x41: {  	s21 =	sadd.s32 $0x200, s19;
	(ifvalue) =	ssetifvalue $0x7FFFFFFF  }
0x42: {  	[tilespmem:s21], [sflag:$0x1] =	stream.indirect_vreg.gather [hbm4b:s2+s11], $0x1, v2, vm0, $0x4038;
	[tilespmem:$0x1BA00] =	vst v63  }
0x43: {  	(ifvalue) =	ssetifvalue $0x7FFFFFFF;
	v2 =	vor.u32 $0x300, v0  }
0x44: {  	s23 =	sand.u32 $0x7, s16;
	s22 =	sadd.s32 $0x280, s19;
	(ifvalue) =	ssetifvalue $0x7FFFFFFF  }
0x45: {  	[tilespmem:s22], [sflag:$0x1] =	stream.indirect_vreg.gather [hbm4b:s2+s11], $0x1, v1, vm0, $0x4038;
	[tilespmem:$0x1BA00] =	vst v63  }
0x46: {  	s17 =	sshll.u32 s23, $0x4;
	(ifvalue) =	ssetifvalue $0x7FFFFFFF;
	v1 =	vor.u32 $0x380, v0  }
0x47: {  	s17 =	sadd.s32 $0x0, s17;
	s20 =	sadd.s32 $0x300, s19;
	(ifvalue) =	ssetifvalue $0x7FFFFFFF  }
0x48: {  	[tilespmem:s20], [sflag:$0x1] =	stream.indirect_vreg.gather [hbm4b:s2+s11], $0x1, v2, vm0, $0x4038;
	[tilespmem:$0x1BA00] =	vst v63  }
0x49: {  	s17 =	sor.u32 $0x380, s17;
	(ifvalue) =	ssetifvalue $0x7FFFFFFF;
	v2 =	vadd.s32 $0xC3800, v0  }
0x4a: {  	s17 =	sadd.s32 s17, s15;
	(ifvalue) =	ssetifvalue $0x7FFFFFFF  }
0x4b: {  	[tilespmem:s17], [sflag:$0x1] =	stream.indirect_vreg.gather [hbm4b:s2+s11], $0x1, v1, vm0, $0x4038;
	[tilespmem:$0x1BA00] =	vst v63  }
0x4c: {  	v1 =	vadd.s32 $0xC3880, v0;
	(ifvalue) =	ssetifvalue $0x7FFFFFFF  }
0x4d: {  	s24 =	sadd.s32 $0x6800, s19;
	(ifvalue) =	ssetifvalue $0x7FFFFFFF  }
0x4e: {  	[tilespmem:s24], [sflag:$0x1] =	stream.indirect_vreg.gather [hbm4b:s2+s11], $0x1, v2, vm0, $0x4038;
	[tilespmem:$0x1BA00] =	vst v63  }
0x4f: {  	v2 =	vadd.s32 $0xC3900, v0;
	(ifvalue) =	ssetifvalue $0x7FFFFFFF  }
0x50: {  	s25 =	sadd.s32 $0x6880, s19;
	(ifvalue) =	ssetifvalue $0x7FFFFFFF  }
0x51: {  	[tilespmem:s25], [sflag:$0x1] =	stream.indirect_vreg.gather [hbm4b:s2+s11], $0x1, v1, vm0, $0x4038;
	[tilespmem:$0x1BA00] =	vst v63  }
0x52: {  	v1 =	vadd.s32 $0xC3980, v0;
	(ifvalue) =	ssetifvalue $0x7FFFFFFF  }
0x53: {  	s26 =	sadd.s32 $0x6900, s19;
	(ifvalue) =	ssetifvalue $0x7FFFFFFF  }
0x54: {  	[tilespmem:s26], [sflag:$0x1] =	stream.indirect_vreg.gather [hbm4b:s2+s11], $0x1, v2, vm0, $0x4038;
	[tilespmem:$0x1BA00] =	vst v63  }
0x55: {  	v2 =	vadd.s32 $0xC3A00, v0;
	(ifvalue) =	ssetifvalue $0x7FFFFFFF  }
0x56: {  	s28 =	sadd.s32 $0x6980, s19;
	(ifvalue) =	ssetifvalue $0x7FFFFFFF  }
0x57: {  	[tilespmem:s28], [sflag:$0x1] =	stream.indirect_vreg.gather [hbm4b:s2+s11], $0x1, v1, vm0, $0x4038;
	[tilespmem:$0x1BA00] =	vst v63  }
0x58: {  	v1 =	vadd.s32 $0xC3A80, v0;
	(ifvalue) =	ssetifvalue $0x7FFFFFFF  }
0x59: {  	s29 =	sadd.s32 $0x6A00, s19;
	(ifvalue) =	ssetifvalue $0x7FFFFFFF  }
0x5a: {  	[tilespmem:s29], [sflag:$0x1] =	stream.indirect_vreg.gather [hbm4b:s2+s11], $0x1, v2, vm0, $0x4038;
	[tilespmem:$0x1BA00] =	vst v63  }
0x5b: {  	v2 =	vadd.s32 $0xC3B00, v0;
	(ifvalue) =	ssetifvalue $0x7FFFFFFF  }
0x5c: {  	s30 =	sadd.s32 $0x6A80, s19;
	(ifvalue) =	ssetifvalue $0x7FFFFFFF  }
0x5d: {  	[tilespmem:s30], [sflag:$0x1] =	stream.indirect_vreg.gather [hbm4b:s2+s11], $0x1, v1, vm0, $0x4038;
	[tilespmem:$0x1BA00] =	vst v63  }
0x5e: {  	s18 =	sadd.s32 $0x10, s18;
	v0 =	vadd.s32 $0xC3B80, v0;
	(ifvalue) =	ssetifvalue $0x7FFFFFFF  }
0x5f: {  	s31 =	sadd.s32 $0x6B00, s19;
	s20 =	sadd.s32 $0x6B80, s19;
	(ifvalue) =	ssetifvalue $0x7FFFFFFF  }
0x60: {  	[tilespmem:s31], [sflag:$0x1] =	stream.indirect_vreg.gather [hbm4b:s2+s11], $0x1, v2, vm0, $0x4038;
	[tilespmem:$0x1BA00] =	vst v63  }
0x61: {  	s19 =	simm.s32 $0x0;
	s17 =	simm.s32 $0x10;
	(ifvalue) =	ssetifvalue $0x7FFFFFFF  }
.LBB2_3:
0x62: {  	(ifvalue) =	ssetifvalue $0x7FFFFFFF;
	s16 =	sadd.s32 $0x80, s16;
	s19 =	sadd.s32 $0x1, s19  }
0x63: {  	[tilespmem:s20], [sflag:$0x1] =	stream.indirect_vreg.gather [hbm4b:s2+s11], $0x1, v0, vm0, $0x4038;
	[tilespmem:$0x1BA00] =	vst v63  }
0x64: {  	p1 =	sne.s32 s17, $0xCF0;
	s20 =	smov.u32 s17;
	s17 =	sadd.s32 $0x10, s17;
	v0 =	vld.msk [tilespmem:s18+$0x0 ss:$0x1], $0xffff  }
0x65: {  	(ifvalue) =	ssetifvalue $0x7FFFFFFF;
	_ =	sdelay $0x4  }
0x66: {  	v1 =	vand.u32 $0x1F, v0;
	v2 =	vshrl.u32 v0, $0x5  }
0x67: {  	vm1 =	veq.s32 v0, $0x80000000;
	v0 =	vand.u32 $0x1FFFF, v2;
	v1 =	vmul.u32 $0x187000, v1  }
0x68: {  	v0 =	vsel vm1, $0xFFFFFFFF, v0  }
0x69: {  	v1 =	vsel vm1, $0xFFE79000, v1;
	v2 =	vshll.u32 v0, $0x3  }
0x6a: {  	v2 =	vand.u32 $0xFFFFFC00, v2  }
0x6b: {  	v0 =	vand.u32 $0x7F, v0;
	v1 =	vadd.s32 v1, v2  }
0x6c: {  	v0 =	vor.u32 v0, v1;
	_ =	sdelay $0x1  }
0x6d: {  	s21 =	sand.u32 $0x7C00, s16  }
0x6e: {  	s20 =	sand.u32 $0x70, s20;
	s21 =	sadd.s32 s21, s15;
	v1 =	vor.u32 $0x80, v0  }
0x6f: {  	s20 =	sadd.s32 s20, s21;
	(ifvalue) =	ssetifvalue $0x7FFFFFFF  }
0x70: {  	[tilespmem:s20], [sflag:$0x1] =	stream.indirect_vreg.gather [hbm4b:s2+s11], $0x1, v0, vm0, $0x4038;
	[tilespmem:$0x1BA00] =	vst v63  }
0x71: {  	v2 =	vor.u32 $0x100, v0;
	(ifvalue) =	ssetifvalue $0x7FFFFFFF  }
0x72: {  	s21 =	sadd.s32 $0x80, s20;
	(ifvalue) =	ssetifvalue $0x7FFFFFFF  }
0x73: {  	[tilespmem:s21], [sflag:$0x1] =	stream.indirect_vreg.gather [hbm4b:s2+s11], $0x1, v1, vm0, $0x4038;
	[tilespmem:$0x1BA00] =	vst v63  }
0x74: {  	v1 =	vor.u32 $0x180, v0;
	(ifvalue) =	ssetifvalue $0x7FFFFFFF  }
0x75: {  	s21 =	sadd.s32 $0x100, s20;
	(ifvalue) =	ssetifvalue $0x7FFFFFFF  }
0x76: {  	[tilespmem:s21], [sflag:$0x1] =	stream.indirect_vreg.gather [hbm4b:s2+s11], $0x1, v2, vm0, $0x4038;
	[tilespmem:$0x1BA00] =	vst v63  }
0x77: {  	v2 =	vor.u32 $0x200, v0;
	(ifvalue) =	ssetifvalue $0x7FFFFFFF  }
0x78: {  	s21 =	sadd.s32 $0x180, s20;
	(ifvalue) =	ssetifvalue $0x7FFFFFFF  }
0x79: {  	[tilespmem:s21], [sflag:$0x1] =	stream.indirect_vreg.gather [hbm4b:s2+s11], $0x1, v1, vm0, $0x4038;
	[tilespmem:$0x1BA00] =	vst v63  }
0x7a: {  	v1 =	vor.u32 $0x280, v0;
	(ifvalue) =	ssetifvalue $0x7FFFFFFF  }
0x7b: {  	s21 =	sadd.s32 $0x200, s20;
	(ifvalue) =	ssetifvalue $0x7FFFFFFF  }
0x7c: {  	[tilespmem:s21], [sflag:$0x1] =	stream.indirect_vreg.gather [hbm4b:s2+s11], $0x1, v2, vm0, $0x4038;
	[tilespmem:$0x1BA00] =	vst v63  }
0x7d: {  	v2 =	vor.u32 $0x300, v0;
	(ifvalue) =	ssetifvalue $0x7FFFFFFF  }
0x7e: {  	s21 =	sadd.s32 $0x280, s20;
	(ifvalue) =	ssetifvalue $0x7FFFFFFF  }
0x7f: {  	[tilespmem:s21], [sflag:$0x1] =	stream.indirect_vreg.gather [hbm4b:s2+s11], $0x1, v1, vm0, $0x4038;
	[tilespmem:$0x1BA00] =	vst v63  }
0x80: {  	s21 =	sand.u32 $0x7, s19;
	v1 =	vor.u32 $0x380, v0;
	(ifvalue) =	ssetifvalue $0x7FFFFFFF  }
0x81: {  	s22 =	sadd.s32 $0x300, s20;
	s21 =	sshll.u32 s21, $0x4;
	(ifvalue) =	ssetifvalue $0x7FFFFFFF  }
0x82: {  	[tilespmem:s22], [sflag:$0x1] =	stream.indirect_vreg.gather [hbm4b:s2+s11], $0x1, v2, vm0, $0x4038;
	[tilespmem:$0x1BA00] =	vst v63  }
0x83: {  	s21 =	sadd.s32 s21, s16;
	v2 =	vadd.s32 $0xC3800, v0;
	(ifvalue) =	ssetifvalue $0x7FFFFFFF  }
0x84: {  	s21 =	sor.u32 $0x380, s21;
	(ifvalue) =	ssetifvalue $0x7FFFFFFF  }
0x85: {  	s21 =	sadd.s32 s21, s15  }
0x86: {  	[tilespmem:s21], [sflag:$0x1] =	stream.indirect_vreg.gather [hbm4b:s2+s11], $0x1, v1, vm0, $0x4038;
	v1 =	vadd.s32 $0xC3880, v0;
	[tilespmem:$0x1BA00] =	vst v63  }
0x87: {  	s21 =	sadd.s32 $0x6800, s20;
	(ifvalue) =	ssetifvalue $0x7FFFFFFF  }
0x88: {  	(ifvalue) =	ssetifvalue $0x7FFFFFFF  }
0x89: {  	[tilespmem:s21], [sflag:$0x1] =	stream.indirect_vreg.gather [hbm4b:s2+s11], $0x1, v2, vm0, $0x4038;
	v2 =	vadd.s32 $0xC3900, v0;
	[tilespmem:$0x1BA00] =	vst v63  }
0x8a: {  	s21 =	sadd.s32 $0x6880, s20;
	(ifvalue) =	ssetifvalue $0x7FFFFFFF  }
0x8b: {  	(ifvalue) =	ssetifvalue $0x7FFFFFFF  }
0x8c: {  	[tilespmem:s21], [sflag:$0x1] =	stream.indirect_vreg.gather [hbm4b:s2+s11], $0x1, v1, vm0, $0x4038;
	v1 =	vadd.s32 $0xC3980, v0;
	[tilespmem:$0x1BA00] =	vst v63  }
0x8d: {  	s21 =	sadd.s32 $0x6900, s20;
	(ifvalue) =	ssetifvalue $0x7FFFFFFF  }
0x8e: {  	(ifvalue) =	ssetifvalue $0x7FFFFFFF  }
0x8f: {  	[tilespmem:s21], [sflag:$0x1] =	stream.indirect_vreg.gather [hbm4b:s2+s11], $0x1, v2, vm0, $0x4038;
	v2 =	vadd.s32 $0xC3A00, v0;
	[tilespmem:$0x1BA00] =	vst v63  }
0x90: {  	s21 =	sadd.s32 $0x6980, s20;
	(ifvalue) =	ssetifvalue $0x7FFFFFFF  }
0x91: {  	(ifvalue) =	ssetifvalue $0x7FFFFFFF  }
0x92: {  	[tilespmem:s21], [sflag:$0x1] =	stream.indirect_vreg.gather [hbm4b:s2+s11], $0x1, v1, vm0, $0x4038;
	v1 =	vadd.s32 $0xC3A80, v0;
	[tilespmem:$0x1BA00] =	vst v63  }
0x93: {  	s21 =	sadd.s32 $0x6A00, s20;
	(ifvalue) =	ssetifvalue $0x7FFFFFFF  }
0x94: {  	(ifvalue) =	ssetifvalue $0x7FFFFFFF  }
0x95: {  	[tilespmem:s21], [sflag:$0x1] =	stream.indirect_vreg.gather [hbm4b:s2+s11], $0x1, v2, vm0, $0x4038;
	v2 =	vadd.s32 $0xC3B00, v0;
	[tilespmem:$0x1BA00] =	vst v63  }
0x96: {  	s21 =	sadd.s32 $0x6A80, s20;
	(ifvalue) =	ssetifvalue $0x7FFFFFFF  }
0x97: {  	(ifvalue) =	ssetifvalue $0x7FFFFFFF  }
0x98: {  	[tilespmem:s21], [sflag:$0x1] =	stream.indirect_vreg.gather [hbm4b:s2+s11], $0x1, v1, vm0, $0x4038;
	[tilespmem:$0x1BA00] =	vst v63  }
.Ltmp3:
0x99: {  	v0 =	vadd.s32 $0xC3B80, v0;
	(pc) =	sbr.rel @p1 .LBB2_3-.Ltmp3, $4  }
0x9a: {  	s21 =	sadd.s32 $0x6B00, s20;
	(ifvalue) =	ssetifvalue $0x7FFFFFFF  }
0x9b: {  	(ifvalue) =	ssetifvalue $0x7FFFFFFF  }
0x9c: {  	[tilespmem:s21], [sflag:$0x1] =	stream.indirect_vreg.gather [hbm4b:s2+s11], $0x1, v2, vm0, $0x4038;
	[tilespmem:$0x1BA00] =	vst v63  }
0x9d: {  	s18 =	sadd.s32 $0x10, s18;
	s20 =	sadd.s32 $0x6B80, s20;
	(ifvalue) =	ssetifvalue $0x7FFFFFFF  }
.Ltmp4:
0x9e: {  	_ = 	snop;
	(pc) =	sbr.rel .LBB2_4-.Ltmp4, $1  }
0x9f: {  	_ =	sdelay $0x3  }
.LBB2_6:
0xa0: {  	_ =	sfence.sel $0x180000  }
0xa1: {  	s2 =	simm.s32 $0x2;
	[bflag:$0x0] =	sbarrier.arrive $0xFFFF  }
0xa2: {  	s30 =	simm.s32 $0x3;
	[sflag:s2] =	ssyncpa.u1 $0x1  }
0xa3: {  	s31 =	simm.s32 $0x1;
	[sflag:s30] =	ssyncpa.u1 $0x1  }
0xa4: {  	[sflag:s31] =	ssyncpa.u1 $0x1  }
0xa5: {  	p0 =	sne.s32 s0, $0x0;
	_ =	strace $0x90000050  }
0xa6: {  	s0 =	sadd.s32 @!p0 $0x100000, s1;
	[bflag:$0x2] =	sbarrier.arrive $0xFFFF  }
0xa7: {  	[sflag:s0] =	ssyncadd.tile.s32 @!p0 $0x1;
	_ =	shalt  }
.Lfunc_end2:
_tile_overlayer_lowered:
.L_overlay_start_2:
0xa8: {  	(tag) =	ssettag $0x2  }
0xa9: {  	s0 =	rddreg [dreg:$0x0];
	s2 =	stileid.u32  }
0xaa: {  	s1 =	rddreg [dreg:$0x1];
	p0 =	sne.s32 s2, $0x0  }
0xab: {  	s3 =	rddreg [dreg:$0x2];
	[bflag:$0x3] =	sbarrier.arrive $0xFFFF;
	s2 =	simm.s32 @!p0 $0x1C01  }
0xac: {  	[timem:s3], [sflag:s2] =	dma.local @!p0 [hbm:s0], s1  }
0xad: {  	s0 =	simm.s32 @!p0 $0x1  }
0xae: {  	_ =	swait.ge @!p0 [sflag:s0], s1  }
0xaf: {  	s1 =	ssub.s32 @!p0 $0x0, s1;
	[sflag:s0] =	ssyncset.done @!p0 $0x0  }
0xb0: {  	[sflag:s0] =	ssyncadd.s32 @!p0 s1  }
0xb1: {  	[bflag:$0x3] =	sbarrier.arrive $0xFFFF  }
0xb2: {  	_ =	shalt  }

// kernel: gather_offload_async_start
scs
__scs_entry_jumppad:
0x0: {  	(pc) =	sbr.rel $0x88, $3  }
0x1: {  	(tag) =	ssettag $0x0;
	lr =	simm.s32 $0x1  }
0x2: {  	[smem:$0x3F94] =	sst lr;
	_ =	strace $0xD0000000  }
0x3: {  	_ = 	snop  }
0x4: {  	_ = 	snop  }
0x5: {  	_ = 	snop  }
0x6: {  	_ = 	snop  }
0x7: {  	_ = 	snop  }
__scs_overlays_trampoline_lowered:
0x8: {  	[smem:$0x3FA3] =	sst s0  }
0x9: {  	[smem:$0x3FA4] =	sst s1  }
0xa: {  	[smem:$0x3FA5] =	sst s2  }
0xb: {  	[smem:$0x3FA6] =	sst s3  }
0xc: {  	[smem:$0x3FA7] =	sst s4  }
0xd: {  	[smem:$0x3FA8] =	sst s5  }
0xe: {  	[smem:$0x3FA9] =	sst s6  }
0xf: {  	[smem:$0x3FAA] =	sst s7  }
0x10: {  	[smem:$0x3FAB] =	sst s8  }
0x11: {  	[smem:$0x3FAC] =	sst s9;
	s0 =	simm.s32 @!p0 $0x0  }
0x12: {  	s1 =	sld [smem:$0x3F92];
	s0 =	simm.s32 @p0 $0x1  }
0x13: {  	[smem:$0x3FAD] =	sst s0;
	s0 =	simm.s32 @!p1 $0x0  }
0x14: {  	s2 =	sld [smem:$0x3F91];
	s0 =	simm.s32 @p1 $0x1  }
0x15: {  	[smem:$0x3FAE] =	sst s0;
	s0 =	simm.s32 @!p2 $0x0  }
0x16: {  	s3 =	sld [smem:$0x3FDB];
	s0 =	simm.s32 @p2 $0x1  }
0x17: {  	s4 =	simm.s32 $0x1BF5;
	[smem:$0x3FB0] =	sst s0  }
0x18: {  	s0 =	sld [smem:$0x3F93];
	_ =	swait.ge [sflag:s4], $0x0  }
0x19: {  	s7 =	sld [smem:$0x3F94]  }
0x1a: {  	s8 =	sadd.s32 $0xFFFFE003, lr  }
0x1b: {  	s9 =	sadd.s32 $0xFFFFFEF7, lr;
	s5 =	simm.s32 $0xFFFFFFFF;
	p2 =	slt.u32 s8, $0xFFFFF086  }
0x1c: {  	p1 =	slt.u32 s9, $0xF7A;
	s5 =	simm.s32 @!p2 $0x0  }
0x1d: {  	s5 =	simm.s32 @p1 $0x1;
	p0 =	seq.s32 s7, s2  }
0x1e: {  	s7 =	smul.u32 @!p0 $0xF7A, s2;
	p2 =	seq.s32 @!p0 s5, $0x0  }
0x1f: {  	s9 =	smul.u32 $0xF7A, s1;
	s8 =	simm.s32 @!p0 $0x1BF5;
	p2 =	por !p2, p0  }
0x20: {  	[sflag:s8] =	ssyncset.s32 @!p0 $0xFFFFF086;
	s6 =	sadd.s32 @!p0 s3, s7;
	s7 =	simm.s32 @!p0 $0x108  }
0x21: {  	s3 =	sadd.s32 s3, s9;
	s6 =	sadd.s32 @!p0 $0x88, s6;
	s7 =	simm.s32 @p2 $0x1082  }
0x22: {  	[simem:s7], [sflag:s8] =	dma.local @!p0 [hbm:s6], $0xF7A  }
0x23: {  	s9 =	sor.u32 $0xD0000000, s2;
	s6 =	simm.s32 $0x108;
	_ =	swait.ge @!p0 [sflag:s8], $0x0  }
0x24: {  	s3 =	sadd.s32 $0x88, s3;
	s6 =	simm.s32 @!p1 $0x1082;
	[sflag:s4] =	ssyncset.s32 $0xFFFFF086  }
0x25: {  	[simem:s6], [sflag:s4] =	dma.local [hbm:s3], $0xF7A  }
0x26: {  	[smem:$0x3F94] =	sst s1;
	(tag) =	ssettag s2;
	_ =	strace s9  }
0x27: {  	s1 =	sld [smem:$0x3FA4]  }
0x28: {  	s2 =	sld [smem:$0x3FA5]  }
0x29: {  	s4 =	sld [smem:$0x3FA7]  }
0x2a: {  	p0 =	seq.s32 s5, $0x0;
	s5 =	sld [smem:$0x3FA8]  }
0x2b: {  	s6 =	sld [smem:$0x3FA9]  }
0x2c: {  	s7 =	sld [smem:$0x3FAA]  }
0x2d: {  	s3 =	simm.s32 $0x108;
	s8 =	sld [smem:$0x3FAB]  }
0x2e: {  	s3 =	simm.s32 @!p0 $0x1082;
	s9 =	sld [smem:$0x3FAC]  }
0x2f: {  	lr =	sadd.s32 s0, s3;
	s0 =	sld [smem:$0x3FA3]  }
0x30: {  	s3 =	sld [smem:$0x3FA6]  }
0x31: {  	[smem:$0x3FAF] =	sst s10  }
0x32: {  	s10 =	sld [smem:$0x3FAD];
	_ =	sdelay $0x3  }
0x33: {  	p0 =	seq.s32 s10, $0x1;
	s10 =	sld [smem:$0x3FAF];
	_ =	sdelay $0x3  }
0x34: {  	[smem:$0x3FAF] =	sst s10  }
0x35: {  	s10 =	sld [smem:$0x3FAE];
	_ =	sdelay $0x3  }
0x36: {  	p1 =	seq.s32 s10, $0x1;
	s10 =	sld [smem:$0x3FAF];
	_ =	sdelay $0x3  }
0x37: {  	[smem:$0x3FAF] =	sst s10  }
0x38: {  	s10 =	sld [smem:$0x3FB0]  }
0x39: {  	_ = 	snop;
	(pc) =	sbr.ind lr, $3  }
0x3a: {  	_ = 	snop  }
0x3b: {  	_ = 	snop  }
0x3c: {  	p2 =	seq.s32 s10, $0x1;
	s10 =	sld [smem:$0x3FAF]  }
0x3d: {  	_ =	shalt  }
0x3e: {  	_ =	shalt  }
0x3f: {  	_ =	shalt  }
0x40: {  	_ =	shalt  }
0x41: {  	_ =	shalt  }
0x42: {  	_ =	shalt  }
0x43: {  	_ =	shalt  }
0x44: {  	_ =	shalt  }
0x45: {  	_ =	shalt  }
0x46: {  	_ =	shalt  }
0x47: {  	_ =	shalt  }
0x48: {  	_ =	shalt  }
0x49: {  	_ =	shalt  }
0x4a: {  	_ =	shalt  }
0x4b: {  	_ =	shalt  }
0x4c: {  	_ =	shalt  }
0x4d: {  	_ =	shalt  }
0x4e: {  	_ =	shalt  }
0x4f: {  	_ =	shalt  }
0x50: {  	_ =	shalt  }
0x51: {  	_ =	shalt  }
0x52: {  	_ =	shalt  }
0x53: {  	_ =	shalt  }
0x54: {  	_ =	shalt  }
0x55: {  	_ =	shalt  }
0x56: {  	_ =	shalt  }
0x57: {  	_ =	shalt  }
0x58: {  	_ =	shalt  }
0x59: {  	_ =	shalt  }
0x5a: {  	_ =	shalt  }
0x5b: {  	_ =	shalt  }
0x5c: {  	_ =	shalt  }
0x5d: {  	_ =	shalt  }
0x5e: {  	_ =	shalt  }
0x5f: {  	_ =	shalt  }
0x60: {  	_ =	shalt  }
0x61: {  	_ =	shalt  }
0x62: {  	_ =	shalt  }
0x63: {  	_ =	shalt  }
0x64: {  	_ =	shalt  }
0x65: {  	_ =	shalt  }
0x66: {  	_ =	shalt  }
0x67: {  	_ =	shalt  }
0x68: {  	_ =	shalt  }
0x69: {  	_ =	shalt  }
0x6a: {  	_ =	shalt  }
0x6b: {  	_ =	shalt  }
0x6c: {  	_ =	shalt  }
0x6d: {  	_ =	shalt  }
0x6e: {  	_ =	shalt  }
0x6f: {  	_ =	shalt  }
0x70: {  	_ =	shalt  }
0x71: {  	_ =	shalt  }
0x72: {  	_ =	shalt  }
0x73: {  	_ =	shalt  }
0x74: {  	_ =	shalt  }
0x75: {  	_ =	shalt  }
0x76: {  	_ =	shalt  }
0x77: {  	_ =	shalt  }
0x78: {  	_ =	shalt  }
0x79: {  	_ =	shalt  }
0x7a: {  	_ =	shalt  }
0x7b: {  	_ =	shalt  }
0x7c: {  	_ =	shalt  }
0x7d: {  	_ =	shalt  }
0x7e: {  	_ =	shalt  }
0x7f: {  	_ =	shalt  }
0x80: {  	_ =	shalt  }
0x81: {  	_ =	shalt  }
0x82: {  	_ =	shalt  }
0x83: {  	_ =	shalt  }
0x84: {  	_ =	shalt  }
0x85: {  	_ =	shalt  }
0x86: {  	_ =	shalt  }
0x87: {  	_ =	shalt  }
.Lfunc_end0:
.L_simem_size_0:
called_computation_lowered:
.L_overlay_start_0:
0x88: {  	s2 =	sld [smem:$0x3FD9]  }
0x89: {  	s3 =	sld [smem:$0x3FFE];
	_ =	sdelay $0x1  }
0x8a: {  	s1 =	srdreg.scid  }
0x8b: {  	s0 =	sand.u32 $0x1, s1  }
0x8c: {  	s17 =	sshll.u32 s0, $0xA;
	s2 =	sadd.s32 s3, s2  }
0x8d: {  	s2 =	sadd.s32 s2, s17  }
0x8e: {  	[smem:$0x3FBB] =	sst s2  }
0x8f: {  	_ = 	snop  }
0x90: {  	s2 =	sld [smem:$0x3FC7];
	(tm) =	ssettm $0x1  }
0x91: {  	s18 =	sld [smem:$0x3FFB];
	_ =	sdelay $0x3  }
0x92: {  	_ =	strace s18  }
0x93: {  	s3 =	sld [smem:$0x3FFC];
	_ =	sdelay $0x3  }
0x94: {  	_ =	strace s3  }
0x95: {  	s3 =	sld [smem:$0x3FFD];
	_ =	sdelay $0x3  }
0x96: {  	_ =	strace s3  }
0x97: {  	_ =	strace $0x8FFFFFFF  }
0x98: {  	s19 =	sld [smem:$0x3FDB];
	_ =	sdelay $0x1  }
0x99: {  	s4 =	simm.s32 $_scs_section_size  }
0x9a: {  	s5 =	simm.s32 $_size__tile_overlayer_lowered;
	s6 =	simm.s32 $_tile_overlayer_lowered  }
0x9b: {  	s22 =	simm.s32 $0x1BFF;
	s21 =	sshll.u32 s6, $0x1;
	s3 =	sadd.s32 s4, s19  }
0x9c: {  	s7 =	simm.s32 $0x0;
	s20 =	sshll.u32 s5, $0x1;
	s5 =	sadd.s32 s21, s3  }
0x9d: {  	[timem:s7], [sflag:s22] =	dma.local [hbm:s5], s20  }
0x9e: {  	_ =	swait.ge [sflag:s22], s20  }
0x9f: {  	s4 =	ssub.s32 $0x0, s20;
	[sflag:s22] =	ssyncset.done $0x0  }
0xa0: {  	[sflag:s22] =	ssyncadd.s32 s4;
	_ =	sdelay $0x1  }
0xa1: {  	s23 =	simm.s32 $0x1B8B  }
0xa2: {  	_ =	swait.ge [sflag:s23], $0x1  }
0xa3: {  	[sflag:s23] =	ssyncset.done $0x0  }
0xa4: {  	s25 =	simm.s32 $0x1B8E;
	s24 =	sld [smem:$0x3FFE];
	[sflag:s23] =	ssyncadd.s32 $0xFFFFFFFF  }
0xa5: {  	s26 =	simm.s32 $execute0_lowered;
	[smem:$0x3FD2] =	sst s25  }
0xa6: {  	s5 =	sshll.u32 s26, $0x1;
	_ =	strace $0x80000046;
	[dreg:$0x1] =	wrdreg $0xFFFFFFFF  }
0xa7: {  	s28 =	simm.s32 $_size_execute0_lowered;
	s3 =	sadd.s32 s3, s5;
	[dreg:$0x0] =	wrdreg $0x0  }
0xa8: {  	s5 =	sshll.u32 s28, $0x1;
	[dreg:$0x2] =	wrdreg s3  }
0xa9: {  	[dreg:$0x3] =	wrdreg s5  }
0xaa: {  	[dreg:$0x4] =	wrdreg $0xC0  }
0xab: {  	_ =	task [dreg:s7], $0x5FFFF  }
0xac: {  	[dreg:$0x1] =	wrdreg $0xFFFFFFFF  }
0xad: {  	[dreg:$0x0] =	wrdreg $0x60  }
0xae: {  	[dreg:$0x2] =	wrdreg s2  }
0xaf: {  	[dreg:$0x3] =	wrdreg s24  }
0xb0: {  	[dreg:$0x4] =	wrdreg $0x9  }
0xb1: {  	_ =	task.clear_ibuf [dreg:s7], $0x5FFFF;
	_ =	strace $0x90000046  }
0xb2: {  	s29 =	simm.s32 $0x9;
	_ =	strace $0x80000048  }
0xb3: {  	_ =	swait.ge [sflag:s29], $0x1  }
0xb4: {  	[sflag:s29] =	ssyncadd.s32 $0xFFFFFFFF  }
0xb5: {  	_ =	strace $0x90000048  }
0xb6: {  	_ =	sfence  }
0xb7: {  	s30 =	sld [smem:$0x0];
	_ =	sdelay $0x2  }
0xb8: {  	s31 =	sshll.u32 s1, $0xD;
	s1 =	sshrl.u32 s1, $0x2  }
0xb9: {  	s3 =	sand.u32 $0x4000, s31;
	s1 =	sadd.s32 s1, s30  }
0xba: {  	s0 =	sor.u32 s3, s0;
	s1 =	sshll.u32 s1, $0x11  }
0xbb: {  	s0 =	sor.u32 s1, s0  }
0xbc: {  	s0 =	sadd.s32 $0x8F2B, s0  }
0xbd: {  	[sflag:s0] =	ssyncadd.remote.s32 $0x1  }
0xbe: {  	_ =	sfence.sel $0xFFFF  }
0xbf: {  	[dreg:$0x0] =	wrdreg $0xFFFFFFFF;
	(pc) =	sbr.abs _section_cstart, $3  }
0xc0: {  	[dreg:$0x1] =	wrdreg $0xFFFFFFFF  }
0xc1: {  	_ =	task.clear_ibuf [dreg:s7], $0x2FFFF;
	_ =	strace $0x9FFFFFFF  }
0xc2: {  	(tm) =	ssettm $0x7FFFFFFF  }
0xc3: {  	_ =	shalt  }
tec
execute0_lowered:
.L_overlay_start_1:
0x0: {  	(tag) =	ssettag $0x1  }
0x1: {  	s0 =	stileid.u32;
	s2 =	rddreg [dreg:$0x0]  }
0x2: {  	s1 =	srdreg.scid;
	s9 =	rddreg [dreg:$0x1]  }
0x3: {  	s4 =	simm.s32 $0x1;
	s6 =	simm.s32 $0x2;
	s11 =	simm.s32 $0x1  }
0x4: {  	s31 =	simm.s32 $0x3;
	s1 =	sand.u32 $0x1, s1;
	s3 =	sshll.u32 s0, $0x1  }
0x5: {  	s13 =	simm.s32 $0x0;
	s12 =	simm.s32 $0x0;
	s7 =	sor.u32 s3, s1  }
0x6: {  	s1 =	rddreg [dreg:$0x2];
	_ =	strace $0x80000047;
	s3 =	smul.u32 $0xD00, s7  }
0x7: {  	[sflag:s4] =	ssyncpa.u1 $0x0;
	p0 =	seq.s32 s7, $0x0;
	s7 =	simm.s32 $0x1A000  }
0x8: {  	s7 =	simm.s32 @!p0 $0x0;
	s11 =	simm.s32 @!p0 $0x0;
	[sflag:s6] =	ssyncpa.u1 $0x0  }
.Ltmp0:
0x9: {  	s5 =	sshrl.u32 s3, $0x3;
	s10 =	ssub.s32 $0x1A000, s3;
	(pc) =	sbr.rel .LBB2_1-.Ltmp0, $4  }
0xa: {  	[sflag:s31] =	ssyncpa.u1 $0x0;
	p0 =	sne.s32 s10, s7;
	s7 =	simm.s32 $0x1  }
0xb: {  	s8 =	sadd.s32 s5, s9;
	s5 =	sadd.s32 $0x13400, s9;
	s7 =	simm.s32 @!p0 $0x0  }
0xc: {  	s9 =	sadd.s32 $0x2D400, s9;
	s8 =	sadd.s32 $0x10000, s8;
	s7 =	sadd.s32 s11, s7  }
0xd: {  	vm0 =	vmmov $0xffff;
	p0 =	por $0x0, $0x0;
	s11 =	simm.s32 $0x0;
	s10 =	sadd.s32 $0x1, s7  }
.LBB2_4:
0xe: {  	_ =	sdelay $0x2  }
0xf: {  	(ifvalue) =	ssetifvalue $0x7FFFFFFF  }
0x10: {  	[tilespmem:s20], [sflag:$0x1] =	stream.indirect_vreg.gather [hbm4b:s2+s11], $0x1, v0, vm0, $0x4038;
	[tilespmem:$0x1BA00] =	vst v63  }
0x11: {  	_ =	swait.ge [sflag:s4], $0xD000  }
0x12: {  	[sflag:s4] =	ssyncset.done $0x0  }
0x13: {  	s16 =	sadd.s32 s5, s13;
	[sflag:s4] =	ssyncadd.s32 $0xFFFF3000  }
0x14: {  	[hbm:s16] =	stream.linear.scatter [tilespmem:s15], [sflag:$0x3], $0x6800, $0x38;
	[tilespmem:$0x1BA00] =	vst v63  }
0x15: {  	s14 =	sadd.s32 $0x8200, s14;
	s31 =	sadd.s32 s13, s9  }
0x16: {  	[hbm:s31] =	stream.linear.scatter [tilespmem:s14], [sflag:$0x3], $0x6800, $0x38;
	[tilespmem:$0x1BA00] =	vst v63  }
.LBB2_5:
0x17: {  	p2 =	sne.s32 s12, s10  }
.Ltmp1:
0x18: {  	p1 =	slt.u32 s12, $0x2;
	(pc) =	sbr.rel @!p2 .LBB2_6-.Ltmp1, $4  }
0x19: {  	s13 =	simm.s32 @!p1 $0x3  }
0x1a: {  	_ =	swait.ge @!p1 [sflag:s13], $0xD000  }
0x1b: {  	s14 =	sadd.s32 $0x1, s12;
	p0 =	por !p0, !p0;
	[sflag:s13] =	ssyncset.done @!p1 $0x0  }
0x1c: {  	s12 =	smov.u32 s14;
	[sflag:s13] =	ssyncadd.s32 @!p1 $0xFFFF3000;
	s13 =	smov.u32 s3  }
.LBB2_1:
0x1d: {  	p1 =	sge.u32 s12, s7  }
0x1e: {  	s14 =	sxor.u32 @!p1 $0x1, s12  }
0x1f: {  	s14 =	smul.u32 @!p1 $0x3400, s14;
	_ =	sdelay $0x1  }
0x20: {  	s31 =	sadd.s32 $0xFFFFFFFF, s12;
	s15 =	simm.s32 @!p1 $0x0;
	s14 =	sshra.s32 @!p1 s14, $0x2  }
0x21: {  	[tilespmem:s14], [sflag:$0x2] =	stream.linear.gather @!p1 [hbm4b:s8+s15], $0xD00, $0x38;
	[tilespmem:$0x1BA00] =	vst v63  }
0x22: {  	p1 =	sge.u32 s31, s7  }
.Ltmp2:
0x23: {  	_ = 	snop;
	(pc) =	sbr.rel @p1 .LBB2_5-.Ltmp2, $1  }
0x24: {  	_ =	sdelay $0x3  }
0x25: {  	s14 =	simm.s32 $0x1  }
0x26: {  	s14 =	simm.s32 @!p0 $0x0  }
0x27: {  	_ =	swait.ge [sflag:s6], $0xD00;
	s14 =	smul.u32 $0x3400, s14  }
0x28: {  	[sflag:s6] =	ssyncset.done $0x0  }
0x29: {  	[sflag:s6] =	ssyncadd.s32 $0xFFFFF300;
	s18 =	sshrl.u32 s14, $0x2  }
0x2a: {  	v0 =	vld.msk [tilespmem:s18+$0x0 ss:$0x1], $0xffff;
	_ =	sdelay $0x4  }
0x2b: {  	v1 =	vshrl.u32 v0, $0x5  }
0x2c: {  	v2 =	vand.u32 $0x1F, v0;
	vm1 =	veq.s32 v0, $0x80000000;
	v0 =	vand.u32 $0x1FFFF, v1  }
0x2d: {  	v1 =	vmul.u32 $0x187000, v2;
	v0 =	vsel vm1, $0xFFFFFFFF, v0  }
0x2e: {  	v2 =	vshll.u32 v0, $0x3  }
0x2f: {  	s30 =	sand.u32 $0x1, s12;
	v1 =	vsel vm1, $0xFFE79000, v1;
	v2 =	vand.u32 $0xFFFFFC00, v2  }
0x30: {  	s14 =	smul.u32 $0x34000, s30;
	v0 =	vand.u32 $0x7F, v0;
	v1 =	vadd.s32 v1, v2  }
0x31: {  	v0 =	vor.u32 v0, v1  }
0x32: {  	s16 =	simm.s32 $0x0;
	s14 =	sshrl.u32 s14, $0x2  }
0x33: {  	s17 =	sand.u32 $0x7C00, s16;
	s15 =	sadd.s32 $0x1A00, s14  }
0x34: {  	s19 =	sand.u32 $0x70, s16;
	(ifvalue) =	ssetifvalue $0x7FFFFFFF;
	s17 =	sadd.s32 s17, s15;
	v1 =	vor.u32 $0x80, v0  }
0x35: {  	(ifvalue) =	ssetifvalue $0x7FFFFFFF;
	s19 =	sadd.s32 s19, s17  }
0x36: {  	[tilespmem:s19], [sflag:$0x1] =	stream.indirect_vreg.gather [hbm4b:s2+s11], $0x1, v0, vm0, $0x4038;
	[tilespmem:$0x1BA00] =	vst v63  }
0x37: {  	v2 =	vor.u32 $0x100, v0;
	(ifvalue) =	ssetifvalue $0x7FFFFFFF  }
0x38: {  	s17 =	sadd.s32 $0x80, s19;
	(ifvalue) =	ssetifvalue $0x7FFFFFFF  }
0x39: {  	[tilespmem:s17], [sflag:$0x1] =	stream.indirect_vreg.gather [hbm4b:s2+s11], $0x1, v1, vm0, $0x4038;
	[tilespmem:$0x1BA00] =	vst v63  }
0x3a: {  	v1 =	vor.u32 $0x180, v0;
	(ifvalue) =	ssetifvalue $0x7FFFFFFF  }
0x3b: {  	s31 =	sadd.s32 $0x100, s19;
	(ifvalue) =	ssetifvalue $0x7FFFFFFF  }
0x3c: {  	[tilespmem:s31], [sflag:$0x1] =	stream.indirect_vreg.gather [hbm4b:s2+s11], $0x1, v2, vm0, $0x4038;
	[tilespmem:$0x1BA00] =	vst v63  }
0x3d: {  	v2 =	vor.u32 $0x200, v0;
	(ifvalue) =	ssetifvalue $0x7FFFFFFF  }
0x3e: {  	s20 =	sadd.s32 $0x180, s19;
	(ifvalue) =	ssetifvalue $0x7FFFFFFF  }
0x3f: {  	[tilespmem:s20], [sflag:$0x1] =	stream.indirect_vreg.gather [hbm4b:s2+s11], $0x1, v1, vm0, $0x4038;
	[tilespmem:$0x1BA00] =	vst v63  }
0x40: {  	(ifvalue) =	ssetifvalue $0x7FFFFFFF;
	v1 =	vor.u32 $0x280, v0  }
0x41: {  	s21 =	sadd.s32 $0x200, s19;
	(ifvalue) =	ssetifvalue $0x7FFFFFFF  }
0x42: {  	[tilespmem:s21], [sflag:$0x1] =	stream.indirect_vreg.gather [hbm4b:s2+s11], $0x1, v2, vm0, $0x4038;
	[tilespmem:$0x1BA00] =	vst v63  }
0x43: {  	(ifvalue) =	ssetifvalue $0x7FFFFFFF;
	v2 =	vor.u32 $0x300, v0  }
0x44: {  	s23 =	sand.u32 $0x7, s16;
	s22 =	sadd.s32 $0x280, s19;
	(ifvalue) =	ssetifvalue $0x7FFFFFFF  }
0x45: {  	[tilespmem:s22], [sflag:$0x1] =	stream.indirect_vreg.gather [hbm4b:s2+s11], $0x1, v1, vm0, $0x4038;
	[tilespmem:$0x1BA00] =	vst v63  }
0x46: {  	s17 =	sshll.u32 s23, $0x4;
	(ifvalue) =	ssetifvalue $0x7FFFFFFF;
	v1 =	vor.u32 $0x380, v0  }
0x47: {  	s17 =	sadd.s32 $0x0, s17;
	s20 =	sadd.s32 $0x300, s19;
	(ifvalue) =	ssetifvalue $0x7FFFFFFF  }
0x48: {  	[tilespmem:s20], [sflag:$0x1] =	stream.indirect_vreg.gather [hbm4b:s2+s11], $0x1, v2, vm0, $0x4038;
	[tilespmem:$0x1BA00] =	vst v63  }
0x49: {  	s17 =	sor.u32 $0x380, s17;
	(ifvalue) =	ssetifvalue $0x7FFFFFFF;
	v2 =	vadd.s32 $0xC3800, v0  }
0x4a: {  	s17 =	sadd.s32 s17, s15;
	(ifvalue) =	ssetifvalue $0x7FFFFFFF  }
0x4b: {  	[tilespmem:s17], [sflag:$0x1] =	stream.indirect_vreg.gather [hbm4b:s2+s11], $0x1, v1, vm0, $0x4038;
	[tilespmem:$0x1BA00] =	vst v63  }
0x4c: {  	v1 =	vadd.s32 $0xC3880, v0;
	(ifvalue) =	ssetifvalue $0x7FFFFFFF  }
0x4d: {  	s24 =	sadd.s32 $0x6800, s19;
	(ifvalue) =	ssetifvalue $0x7FFFFFFF  }
0x4e: {  	[tilespmem:s24], [sflag:$0x1] =	stream.indirect_vreg.gather [hbm4b:s2+s11], $0x1, v2, vm0, $0x4038;
	[tilespmem:$0x1BA00] =	vst v63  }
0x4f: {  	v2 =	vadd.s32 $0xC3900, v0;
	(ifvalue) =	ssetifvalue $0x7FFFFFFF  }
0x50: {  	s25 =	sadd.s32 $0x6880, s19;
	(ifvalue) =	ssetifvalue $0x7FFFFFFF  }
0x51: {  	[tilespmem:s25], [sflag:$0x1] =	stream.indirect_vreg.gather [hbm4b:s2+s11], $0x1, v1, vm0, $0x4038;
	[tilespmem:$0x1BA00] =	vst v63  }
0x52: {  	v1 =	vadd.s32 $0xC3980, v0;
	(ifvalue) =	ssetifvalue $0x7FFFFFFF  }
0x53: {  	s26 =	sadd.s32 $0x6900, s19;
	(ifvalue) =	ssetifvalue $0x7FFFFFFF  }
0x54: {  	[tilespmem:s26], [sflag:$0x1] =	stream.indirect_vreg.gather [hbm4b:s2+s11], $0x1, v2, vm0, $0x4038;
	[tilespmem:$0x1BA00] =	vst v63  }
0x55: {  	v2 =	vadd.s32 $0xC3A00, v0;
	(ifvalue) =	ssetifvalue $0x7FFFFFFF  }
0x56: {  	s28 =	sadd.s32 $0x6980, s19;
	(ifvalue) =	ssetifvalue $0x7FFFFFFF  }
0x57: {  	[tilespmem:s28], [sflag:$0x1] =	stream.indirect_vreg.gather [hbm4b:s2+s11], $0x1, v1, vm0, $0x4038;
	[tilespmem:$0x1BA00] =	vst v63  }
0x58: {  	v1 =	vadd.s32 $0xC3A80, v0;
	(ifvalue) =	ssetifvalue $0x7FFFFFFF  }
0x59: {  	s29 =	sadd.s32 $0x6A00, s19;
	(ifvalue) =	ssetifvalue $0x7FFFFFFF  }
0x5a: {  	[tilespmem:s29], [sflag:$0x1] =	stream.indirect_vreg.gather [hbm4b:s2+s11], $0x1, v2, vm0, $0x4038;
	[tilespmem:$0x1BA00] =	vst v63  }
0x5b: {  	v2 =	vadd.s32 $0xC3B00, v0;
	(ifvalue) =	ssetifvalue $0x7FFFFFFF  }
0x5c: {  	s30 =	sadd.s32 $0x6A80, s19;
	(ifvalue) =	ssetifvalue $0x7FFFFFFF  }
0x5d: {  	[tilespmem:s30], [sflag:$0x1] =	stream.indirect_vreg.gather [hbm4b:s2+s11], $0x1, v1, vm0, $0x4038;
	[tilespmem:$0x1BA00] =	vst v63  }
0x5e: {  	s18 =	sadd.s32 $0x10, s18;
	v0 =	vadd.s32 $0xC3B80, v0;
	(ifvalue) =	ssetifvalue $0x7FFFFFFF  }
0x5f: {  	s31 =	sadd.s32 $0x6B00, s19;
	s20 =	sadd.s32 $0x6B80, s19;
	(ifvalue) =	ssetifvalue $0x7FFFFFFF  }
0x60: {  	[tilespmem:s31], [sflag:$0x1] =	stream.indirect_vreg.gather [hbm4b:s2+s11], $0x1, v2, vm0, $0x4038;
	[tilespmem:$0x1BA00] =	vst v63  }
0x61: {  	s19 =	simm.s32 $0x0;
	s17 =	simm.s32 $0x10;
	(ifvalue) =	ssetifvalue $0x7FFFFFFF  }
.LBB2_3:
0x62: {  	(ifvalue) =	ssetifvalue $0x7FFFFFFF;
	s16 =	sadd.s32 $0x80, s16;
	s19 =	sadd.s32 $0x1, s19  }
0x63: {  	[tilespmem:s20], [sflag:$0x1] =	stream.indirect_vreg.gather [hbm4b:s2+s11], $0x1, v0, vm0, $0x4038;
	[tilespmem:$0x1BA00] =	vst v63  }
0x64: {  	p1 =	sne.s32 s17, $0xCF0;
	s20 =	smov.u32 s17;
	s17 =	sadd.s32 $0x10, s17;
	v0 =	vld.msk [tilespmem:s18+$0x0 ss:$0x1], $0xffff  }
0x65: {  	(ifvalue) =	ssetifvalue $0x7FFFFFFF;
	_ =	sdelay $0x4  }
0x66: {  	v1 =	vand.u32 $0x1F, v0;
	v2 =	vshrl.u32 v0, $0x5  }
0x67: {  	vm1 =	veq.s32 v0, $0x80000000;
	v0 =	vand.u32 $0x1FFFF, v2;
	v1 =	vmul.u32 $0x187000, v1  }
0x68: {  	v0 =	vsel vm1, $0xFFFFFFFF, v0  }
0x69: {  	v1 =	vsel vm1, $0xFFE79000, v1;
	v2 =	vshll.u32 v0, $0x3  }
0x6a: {  	v2 =	vand.u32 $0xFFFFFC00, v2  }
0x6b: {  	v0 =	vand.u32 $0x7F, v0;
	v1 =	vadd.s32 v1, v2  }
0x6c: {  	v0 =	vor.u32 v0, v1;
	_ =	sdelay $0x1  }
0x6d: {  	s21 =	sand.u32 $0x7C00, s16  }
0x6e: {  	s20 =	sand.u32 $0x70, s20;
	s21 =	sadd.s32 s21, s15;
	v1 =	vor.u32 $0x80, v0  }
0x6f: {  	s20 =	sadd.s32 s20, s21;
	(ifvalue) =	ssetifvalue $0x7FFFFFFF  }
0x70: {  	[tilespmem:s20], [sflag:$0x1] =	stream.indirect_vreg.gather [hbm4b:s2+s11], $0x1, v0, vm0, $0x4038;
	[tilespmem:$0x1BA00] =	vst v63  }
0x71: {  	v2 =	vor.u32 $0x100, v0;
	(ifvalue) =	ssetifvalue $0x7FFFFFFF  }
0x72: {  	s21 =	sadd.s32 $0x80, s20;
	(ifvalue) =	ssetifvalue $0x7FFFFFFF  }
0x73: {  	[tilespmem:s21], [sflag:$0x1] =	stream.indirect_vreg.gather [hbm4b:s2+s11], $0x1, v1, vm0, $0x4038;
	[tilespmem:$0x1BA00] =	vst v63  }
0x74: {  	v1 =	vor.u32 $0x180, v0;
	(ifvalue) =	ssetifvalue $0x7FFFFFFF  }
0x75: {  	s21 =	sadd.s32 $0x100, s20;
	(ifvalue) =	ssetifvalue $0x7FFFFFFF  }
0x76: {  	[tilespmem:s21], [sflag:$0x1] =	stream.indirect_vreg.gather [hbm4b:s2+s11], $0x1, v2, vm0, $0x4038;
	[tilespmem:$0x1BA00] =	vst v63  }
0x77: {  	v2 =	vor.u32 $0x200, v0;
	(ifvalue) =	ssetifvalue $0x7FFFFFFF  }
0x78: {  	s21 =	sadd.s32 $0x180, s20;
	(ifvalue) =	ssetifvalue $0x7FFFFFFF  }
0x79: {  	[tilespmem:s21], [sflag:$0x1] =	stream.indirect_vreg.gather [hbm4b:s2+s11], $0x1, v1, vm0, $0x4038;
	[tilespmem:$0x1BA00] =	vst v63  }
0x7a: {  	v1 =	vor.u32 $0x280, v0;
	(ifvalue) =	ssetifvalue $0x7FFFFFFF  }
0x7b: {  	s21 =	sadd.s32 $0x200, s20;
	(ifvalue) =	ssetifvalue $0x7FFFFFFF  }
0x7c: {  	[tilespmem:s21], [sflag:$0x1] =	stream.indirect_vreg.gather [hbm4b:s2+s11], $0x1, v2, vm0, $0x4038;
	[tilespmem:$0x1BA00] =	vst v63  }
0x7d: {  	v2 =	vor.u32 $0x300, v0;
	(ifvalue) =	ssetifvalue $0x7FFFFFFF  }
0x7e: {  	s21 =	sadd.s32 $0x280, s20;
	(ifvalue) =	ssetifvalue $0x7FFFFFFF  }
0x7f: {  	[tilespmem:s21], [sflag:$0x1] =	stream.indirect_vreg.gather [hbm4b:s2+s11], $0x1, v1, vm0, $0x4038;
	[tilespmem:$0x1BA00] =	vst v63  }
0x80: {  	s21 =	sand.u32 $0x7, s19;
	v1 =	vor.u32 $0x380, v0;
	(ifvalue) =	ssetifvalue $0x7FFFFFFF  }
0x81: {  	s22 =	sadd.s32 $0x300, s20;
	s21 =	sshll.u32 s21, $0x4;
	(ifvalue) =	ssetifvalue $0x7FFFFFFF  }
0x82: {  	[tilespmem:s22], [sflag:$0x1] =	stream.indirect_vreg.gather [hbm4b:s2+s11], $0x1, v2, vm0, $0x4038;
	[tilespmem:$0x1BA00] =	vst v63  }
0x83: {  	s21 =	sadd.s32 s21, s16;
	v2 =	vadd.s32 $0xC3800, v0;
	(ifvalue) =	ssetifvalue $0x7FFFFFFF  }
0x84: {  	s21 =	sor.u32 $0x380, s21;
	(ifvalue) =	ssetifvalue $0x7FFFFFFF  }
0x85: {  	s21 =	sadd.s32 s21, s15  }
0x86: {  	[tilespmem:s21], [sflag:$0x1] =	stream.indirect_vreg.gather [hbm4b:s2+s11], $0x1, v1, vm0, $0x4038;
	v1 =	vadd.s32 $0xC3880, v0;
	[tilespmem:$0x1BA00] =	vst v63  }
0x87: {  	s21 =	sadd.s32 $0x6800, s20;
	(ifvalue) =	ssetifvalue $0x7FFFFFFF  }
0x88: {  	(ifvalue) =	ssetifvalue $0x7FFFFFFF  }
0x89: {  	[tilespmem:s21], [sflag:$0x1] =	stream.indirect_vreg.gather [hbm4b:s2+s11], $0x1, v2, vm0, $0x4038;
	v2 =	vadd.s32 $0xC3900, v0;
	[tilespmem:$0x1BA00] =	vst v63  }
0x8a: {  	s21 =	sadd.s32 $0x6880, s20;
	(ifvalue) =	ssetifvalue $0x7FFFFFFF  }
0x8b: {  	(ifvalue) =	ssetifvalue $0x7FFFFFFF  }
0x8c: {  	[tilespmem:s21], [sflag:$0x1] =	stream.indirect_vreg.gather [hbm4b:s2+s11], $0x1, v1, vm0, $0x4038;
	v1 =	vadd.s32 $0xC3980, v0;
	[tilespmem:$0x1BA00] =	vst v63  }
0x8d: {  	s21 =	sadd.s32 $0x6900, s20;
	(ifvalue) =	ssetifvalue $0x7FFFFFFF  }
0x8e: {  	(ifvalue) =	ssetifvalue $0x7FFFFFFF  }
0x8f: {  	[tilespmem:s21], [sflag:$0x1] =	stream.indirect_vreg.gather [hbm4b:s2+s11], $0x1, v2, vm0, $0x4038;
	v2 =	vadd.s32 $0xC3A00, v0;
	[tilespmem:$0x1BA00] =	vst v63  }
0x90: {  	s21 =	sadd.s32 $0x6980, s20;
	(ifvalue) =	ssetifvalue $0x7FFFFFFF  }
0x91: {  	(ifvalue) =	ssetifvalue $0x7FFFFFFF  }
0x92: {  	[tilespmem:s21], [sflag:$0x1] =	stream.indirect_vreg.gather [hbm4b:s2+s11], $0x1, v1, vm0, $0x4038;
	v1 =	vadd.s32 $0xC3A80, v0;
	[tilespmem:$0x1BA00] =	vst v63  }
0x93: {  	s21 =	sadd.s32 $0x6A00, s20;
	(ifvalue) =	ssetifvalue $0x7FFFFFFF  }
0x94: {  	(ifvalue) =	ssetifvalue $0x7FFFFFFF  }
0x95: {  	[tilespmem:s21], [sflag:$0x1] =	stream.indirect_vreg.gather [hbm4b:s2+s11], $0x1, v2, vm0, $0x4038;
	v2 =	vadd.s32 $0xC3B00, v0;
	[tilespmem:$0x1BA00] =	vst v63  }
0x96: {  	s21 =	sadd.s32 $0x6A80, s20;
	(ifvalue) =	ssetifvalue $0x7FFFFFFF  }
0x97: {  	(ifvalue) =	ssetifvalue $0x7FFFFFFF  }
0x98: {  	[tilespmem:s21], [sflag:$0x1] =	stream.indirect_vreg.gather [hbm4b:s2+s11], $0x1, v1, vm0, $0x4038;
	[tilespmem:$0x1BA00] =	vst v63  }
.Ltmp3:
0x99: {  	v0 =	vadd.s32 $0xC3B80, v0;
	(pc) =	sbr.rel @p1 .LBB2_3-.Ltmp3, $4  }
0x9a: {  	s21 =	sadd.s32 $0x6B00, s20;
	(ifvalue) =	ssetifvalue $0x7FFFFFFF  }
0x9b: {  	(ifvalue) =	ssetifvalue $0x7FFFFFFF  }
0x9c: {  	[tilespmem:s21], [sflag:$0x1] =	stream.indirect_vreg.gather [hbm4b:s2+s11], $0x1, v2, vm0, $0x4038;
	[tilespmem:$0x1BA00] =	vst v63  }
0x9d: {  	s18 =	sadd.s32 $0x10, s18;
	s20 =	sadd.s32 $0x6B80, s20;
	(ifvalue) =	ssetifvalue $0x7FFFFFFF  }
.Ltmp4:
0x9e: {  	_ = 	snop;
	(pc) =	sbr.rel .LBB2_4-.Ltmp4, $1  }
0x9f: {  	_ =	sdelay $0x3  }
.LBB2_6:
0xa0: {  	_ =	sfence.sel $0x180000  }
0xa1: {  	s2 =	simm.s32 $0x2;
	[bflag:$0x0] =	sbarrier.arrive $0xFFFF  }
0xa2: {  	s30 =	simm.s32 $0x3;
	[sflag:s2] =	ssyncpa.u1 $0x1  }
0xa3: {  	s31 =	simm.s32 $0x1;
	[sflag:s30] =	ssyncpa.u1 $0x1  }
0xa4: {  	[sflag:s31] =	ssyncpa.u1 $0x1  }
0xa5: {  	p0 =	sne.s32 s0, $0x0;
	_ =	strace $0x90000047  }
0xa6: {  	s0 =	sadd.s32 @!p0 $0x100000, s1;
	[bflag:$0x2] =	sbarrier.arrive $0xFFFF  }
0xa7: {  	[sflag:s0] =	ssyncadd.tile.s32 @!p0 $0x1;
	_ =	shalt  }
.Lfunc_end2:
_tile_overlayer_lowered:
.L_overlay_start_2:
0xa8: {  	(tag) =	ssettag $0x2  }
0xa9: {  	s0 =	rddreg [dreg:$0x0];
	s2 =	stileid.u32  }
0xaa: {  	s1 =	rddreg [dreg:$0x1];
	p0 =	sne.s32 s2, $0x0  }
0xab: {  	s3 =	rddreg [dreg:$0x2];
	[bflag:$0x3] =	sbarrier.arrive $0xFFFF;
	s2 =	simm.s32 @!p0 $0x1C01  }
0xac: {  	[timem:s3], [sflag:s2] =	dma.local @!p0 [hbm:s0], s1  }
0xad: {  	s0 =	simm.s32 @!p0 $0x1  }
0xae: {  	_ =	swait.ge @!p0 [sflag:s0], s1  }
0xaf: {  	s1 =	ssub.s32 @!p0 $0x0, s1;
	[sflag:s0] =	ssyncset.done @!p0 $0x0  }
0xb0: {  	[sflag:s0] =	ssyncadd.s32 @!p0 s1  }
0xb1: {  	[bflag:$0x3] =	sbarrier.arrive $0xFFFF  }
0xb2: {  	_ =	shalt  }

</sc_bundles>
